<compile_context>
chip_gen: v7x
topology: tpu7x:2x2x1
jax: 0.10.2.dev20260603
libtpu: 0.0.44.dev20260713+nightly
codegen_flags: <defaults>
</compile_context>

<pallas_src>
import functools

import jax
import jax.numpy as jnp
from jax import lax
from jax.experimental import pallas as pl
from jax.experimental.pallas import tpu as pltpu
from jax.experimental.pallas import tpu_sc as plsc

N = 65536
H = 64
D = 64
K = 1024
EPS = 1e-5

BLK = 2048
NUM_BLKS = N // BLK

SC_NC = 2
SC_NS = 16
SC_NW = SC_NC * SC_NS
SC_BPW = N // SC_NW
SC_CH = 256


def _fold_sum(x):
    w = x.shape[-1]
    while w > 1:
        w //= 2
        x = x[:, :w] + x[:, w:2 * w]
    return x


def _group_sum(x):
    acc = x[:, 0:8]
    for v in range(1, 8):
        acc = acc + x[:, 8 * v:8 * v + 8]
    acc = acc[:, 0:4] + acc[:, 4:8]
    acc = acc[:, 0:2] + acc[:, 2:4]
    return acc[:, 0:1] + acc[:, 1:2]


def _tc_body(nxy_ref, w1_ref, b1_ref, g_ref, be_ref, w2_ref, b2_ref,
             cbt_ref, cb_ref, idx_ref, loss_ref, csq_ref):
    i = pl.program_id(0)

    @pl.when(i == 0)
    def _():
        csq_ref[...] = _group_sum(cb_ref[...] ** 2).reshape(1, K)

    nxy = nxy_ref[...]
    w1 = w1_ref[...]
    nb = nxy.astype(jnp.bfloat16).astype(jnp.float32)
    wb = w1.astype(jnp.bfloat16).astype(jnp.float32)
    h = (nb[:, 0:1] * wb[0:1, :] + nb[:, 1:2] * wb[1:2, :]) + b1_ref[...]
    mu = _fold_sum(h) / float(H)
    var = _group_sum((h - mu) ** 2) / float(H)
    hn = (h - mu) / jnp.sqrt(var + EPS) * g_ref[...] + be_ref[...]
    hr = jnp.maximum(hn, 0.0)
    z = jnp.dot(hr.astype(jnp.bfloat16), w2_ref[...],
                preferred_element_type=jnp.float32) + b2_ref[...]
    zsq = _group_sum(z ** 2)
    dots = jnp.dot(z.astype(jnp.bfloat16), cbt_ref[...],
                   preferred_element_type=jnp.float32)
    lane = jax.lax.broadcasted_iota(jnp.int32, (BLK, 128), 1)
    minvec = None
    idxvec = None
    for c in range(K // 128):
        dch = zsq - 2.0 * dots[:, c * 128:(c + 1) * 128] \
            + csq_ref[:, c * 128:(c + 1) * 128]
        if c == 0:
            minvec = dch
            idxvec = lane
        else:
            better = dch < minvec
            idxvec = jnp.where(better, lane + c * 128, idxvec)
            minvec = jnp.where(better, dch, minvec)
    minv = jnp.min(minvec, axis=1)
    idx = jnp.min(jnp.where(minvec == minv[:, None], idxvec, K), axis=1)
    idx_ref[...] = idx[:, None]
    s = jnp.sum(minv).reshape(1, 1)

    @pl.when(i == 0)
    def _():
        loss_ref[...] = jnp.zeros_like(loss_ref)

    loss_ref[...] += s


_tc_call = pl.pallas_call(
    _tc_body,
    grid=(NUM_BLKS,),
    in_specs=[
        pl.BlockSpec((BLK, 2), lambda i: (i, 0)),
        pl.BlockSpec((2, H), lambda i: (0, 0)),
        pl.BlockSpec((1, H), lambda i: (0, 0)),
        pl.BlockSpec((1, H), lambda i: (0, 0)),
        pl.BlockSpec((1, H), lambda i: (0, 0)),
        pl.BlockSpec((H, D), lambda i: (0, 0)),
        pl.BlockSpec((1, D), lambda i: (0, 0)),
        pl.BlockSpec((D, K), lambda i: (0, 0)),
        pl.BlockSpec((K, D), lambda i: (0, 0)),
    ],
    out_specs=[
        pl.BlockSpec((BLK, 1), lambda i: (i, 0)),
        pl.BlockSpec((1, 1), lambda i: (0, 0)),
    ],
    out_shape=[
        jax.ShapeDtypeStruct((N, 1), jnp.int32),
        jax.ShapeDtypeStruct((1, 1), jnp.float32),
    ],
    scratch_shapes=[pltpu.VMEM((1, K), jnp.float32)],
)


SC_NCH = SC_BPW // SC_CH
SC_NBUF = 3


def _sc_gather_body(cb_hbm, idx_hbm, out_hbm, idx_v, b0, b1, b2,
                    g0, g1, g2, o0, o1, o2, cb_sh):
    sid = lax.axis_index("s")
    wid = sid * SC_NC + lax.axis_index("c")
    base = wid * SC_BPW
    bufs = (b0, b1, b2)
    gsem = (g0, g1, g2)
    osem = (o0, o1, o2)

    @pl.when(sid == 0)
    def _():
        pltpu.sync_copy(cb_hbm, cb_sh)

    pltpu.sync_copy(idx_hbm.at[pl.ds(base, SC_BPW)], idx_v)
    plsc.subcore_barrier()

    def gather(g):
        return pltpu.async_copy(
            cb_sh.at[idx_v.at[pl.ds(g * SC_CH, SC_CH)]],
            bufs[g % SC_NBUF], gsem[g % SC_NBUF])

    hg = {}
    ho = {}
    for g in range(SC_NBUF):
        hg[g] = gather(g)
    for g in range(SC_NCH):
        hg[g].wait()
        ho[g] = pltpu.async_copy(
            bufs[g % SC_NBUF],
            out_hbm.at[pl.ds(base + g * SC_CH, SC_CH)],
            osem[g % SC_NBUF])
        ng = g + SC_NBUF
        if ng < SC_NCH:
            ho[g].wait()
            hg[ng] = gather(ng)
    for g in range(SC_NCH - SC_NBUF, SC_NCH):
        if g >= 0 and g in ho and (g + SC_NBUF) >= SC_NCH:
            ho[g].wait()


@functools.lru_cache(maxsize=1)
def _make_sc_gather():
    return functools.partial(
        pl.kernel,
        mesh=plsc.VectorSubcoreMesh(core_axis_name="c", subcore_axis_name="s"),
        out_type=jax.ShapeDtypeStruct((N, 128), jnp.float32),
        scratch_types=[
            pltpu.VMEM((SC_BPW,), jnp.int32),
            pltpu.VMEM((SC_CH, 128), jnp.float32),
            pltpu.VMEM((SC_CH, 128), jnp.float32),
            pltpu.VMEM((SC_CH, 128), jnp.float32),
            pltpu.SemaphoreType.DMA,
            pltpu.SemaphoreType.DMA,
            pltpu.SemaphoreType.DMA,
            pltpu.SemaphoreType.DMA,
            pltpu.SemaphoreType.DMA,
            pltpu.SemaphoreType.DMA,
            pltpu.VMEM_SHARED((K, 128), jnp.float32),
        ],
    )(_sc_gather_body)


def kernel(xy, W1, b1, gamma, beta, W2, b2, codebook):
    f = xy.astype(jnp.float32)
    nx = f[:, 0] / 511.0 * 2.0 - 1.0
    ny = f[:, 1] / 511.0 * 2.0 - 1.0
    norm_xy = jnp.stack([nx, ny], axis=1)

    idx2d, loss_sum = _tc_call(
        norm_xy, W1, b1.reshape(1, H), gamma.reshape(1, H), beta.reshape(1, H),
        W2.astype(jnp.bfloat16), b2.reshape(1, D),
        codebook.T.astype(jnp.bfloat16), codebook)

    cb_pad = jnp.concatenate(
        [codebook, jnp.zeros((K, 128 - D), jnp.float32)], axis=1)
    q = _make_sc_gather()(cb_pad, idx2d.reshape(N))[:, :D]

    l = loss_sum[0, 0] / (N * D)
    loss = l + 0.25 * l
    return (q, idx2d, loss)

# --- scband reference (transcript-rebuilt; emitter-appended) ---
"""Pipeline reference for scband-quantizer2-d-39402029974035 (READ-ONLY COPY).

The authoritative reference and input builder live on the scoring server;
editing this copy changes nothing except your own understanding.
"""

import jax, jax.numpy as jnp
import numpy as np

N = 65536
H = 64
D = 64
K = 1024
IMG = (512, 512)
EPS = 1e-5


def setup_inputs(seed: int = 0) -> dict:
    key = jax.random.key(seed)
    ks = jax.random.split(key, 8)
    xy = jax.random.randint(ks[0], (N, 2), 0, 512).astype(jnp.int32)
    W1 = jax.random.normal(ks[1], (2, H), dtype=jnp.float32) * (1.0 / np.sqrt(2.0))
    b1 = jnp.zeros((H,), dtype=jnp.float32)
    gamma = jnp.ones((H,), dtype=jnp.float32)
    beta = jnp.zeros((H,), dtype=jnp.float32)
    W2 = jax.random.normal(ks[2], (H, D), dtype=jnp.float32) * (1.0 / np.sqrt(H))
    b2 = jnp.zeros((D,), dtype=jnp.float32)
    codebook = jax.random.uniform(ks[3], (K, D), dtype=jnp.float32, minval=-1.0 / K, maxval=1.0 / K)
    return {"xy": xy, "W1": W1, "b1": b1, "gamma": gamma, "beta": beta, "W2": W2, "b2": b2, "codebook": codebook}


def reference(xy, W1, b1, gamma, beta, W2, b2, codebook):
    # normalize coordinates to [-1, 1]
    f = xy.astype(jnp.float32)
    nx = f[:, 0] / (IMG[0] - 1) * 2.0 - 1.0
    ny = f[:, 1] / (IMG[1] - 1) * 2.0 - 1.0
    norm_xy = jnp.stack([nx, ny], axis=1)
    # encoder: Linear(2, H) -> LayerNorm -> ReLU -> Linear(H, D)
    h = norm_xy @ W1 + b1
    mu = jnp.mean(h, axis=-1, keepdims=True)
    var = jnp.mean((h - mu) ** 2, axis=-1, keepdims=True)
    h = (h - mu) / jnp.sqrt(var + EPS) * gamma + beta
    h = jax.nn.relu(h)
    z = h @ W2 + b2
    # vector quantization
    flat_z = z.reshape(-1, D)
    distances = (jnp.sum(flat_z ** 2, axis=1, keepdims=True)
                 - 2.0 * flat_z @ codebook.T
                 + jnp.sum(codebook ** 2, axis=1))
    encoding_indices = jnp.argmin(distances, axis=1)
    quantized = jnp.take(codebook, encoding_indices, axis=0)
    quantized = flat_z + jax.lax.stop_gradient(quantized - flat_z)
    loss = (jnp.mean((jax.lax.stop_gradient(quantized) - flat_z) ** 2)
            + 0.25 * jnp.mean((quantized - jax.lax.stop_gradient(flat_z)) ** 2))
    q = quantized.reshape(z.shape)
    idx = encoding_indices.reshape(z.shape[0], -1)
    return (q, idx, loss)

if __name__ == "__main__":
    import jax
    _d = setup_inputs()
    print(jax.jit(kernel)(*tuple(_d.values())))

</pallas_src>

<mosaic_0001>
#map = affine_map<(d0, d1) -> (0, 0)>
#map1 = affine_map<(d0, d1) -> (0)>
module attributes {stable_mosaic.version = 14 : i64} {
  func.func @_sc_gather_body(%arg0: i32, %arg1: i32, %arg2: memref<1024x128xf32, #tpu.memory_space<hbm>>, %arg3: memref<65536xi32, #tpu.memory_space<hbm>>, %arg4: memref<65536x128xf32, #tpu.memory_space<hbm>>, %arg5: memref<2048xi32, #tpu.memory_space<vmem>>, %arg6: memref<256x128xf32, #tpu.memory_space<vmem>>, %arg7: memref<256x128xf32, #tpu.memory_space<vmem>>, %arg8: memref<256x128xf32, #tpu.memory_space<vmem>>, %arg9: memref<!tpu.dma_semaphore, #tpu.memory_space<semaphore_mem>>, %arg10: memref<!tpu.dma_semaphore, #tpu.memory_space<semaphore_mem>>, %arg11: memref<!tpu.dma_semaphore, #tpu.memory_space<semaphore_mem>>, %arg12: memref<!tpu.dma_semaphore, #tpu.memory_space<semaphore_mem>>, %arg13: memref<!tpu.dma_semaphore, #tpu.memory_space<semaphore_mem>>, %arg14: memref<!tpu.dma_semaphore, #tpu.memory_space<semaphore_mem>>, %arg15: memref<1024x128xf32, #tpu.memory_space<vmem_shared>>) attributes {dimension_semantics = [#tpu.dimension_semantics<core_parallel>, #tpu.dimension_semantics<subcore_parallel>], iteration_bounds = array<i64: 2, 16>, scalar_prefetch = 0 : i64, scratch_operands = 11 : i64, tpu.core_type = #tpu.core_type<sc_vector_subcore>, window_params = [{transform_indices = #map}, {transform_indices = #map1}, {transform_indices = #map}]} {
    %mul3A = arith.constant 2 : i32
    %mul3A_0 = arith.muli %arg1, %mul3A : i32
    %add3A = arith.addi %mul3A_0, %arg0 : i32
    %mul3A_1 = arith.constant 2048 : i32
    %mul3A_2 = arith.muli %add3A, %mul3A_1 : i32
    %eq3A = arith.constant 0 : i32
    %eq3A_3 = arith.cmpi eq, %arg1, %eq3A : i32
    %convert_element_type3A = arith.extui %eq3A_3 : i1 to i32
    %cond3A = arith.constant 0 : i32
    %cond3A_4 = arith.cmpi ne, %convert_element_type3A, %cond3A : i32
    scf.if %cond3A_4 {
      "tpu.region"() ({
        %run_scoped3A = tpu.sem_alloc : memref<!tpu.dma_semaphore, #tpu.memory_space<semaphore_mem>>
        tpu.enqueue_dma source(%arg2 : memref<1024x128xf32, #tpu.memory_space<hbm>>) target(%arg15 : memref<1024x128xf32, #tpu.memory_space<vmem_shared>>) target_semaphore(%run_scoped3A : memref<!tpu.dma_semaphore, #tpu.memory_space<semaphore_mem>>)
        tpu.wait_dma2 semaphore(%run_scoped3A : memref<!tpu.dma_semaphore, #tpu.memory_space<semaphore_mem>>) src(%arg2 : memref<1024x128xf32, #tpu.memory_space<hbm>>) dst(%arg15 : memref<1024x128xf32, #tpu.memory_space<vmem_shared>>)
        tpu.yield
      }) : () -> ()
    } else {
    }
    "tpu.region"() ({
      %run_scoped3A = tpu.sem_alloc : memref<!tpu.dma_semaphore, #tpu.memory_space<semaphore_mem>>
      %dma_start3A_163 = tpu.memref_slice %arg3[%mul3A_2] : memref<65536xi32, #tpu.memory_space<hbm>> -> memref<2048xi32, #tpu.memory_space<hbm>>
      %dma_start3A_164 = tpu.memref_slice %arg3[%mul3A_2] : memref<65536xi32, #tpu.memory_space<hbm>> -> memref<2048xi32, #tpu.memory_space<hbm>>
      tpu.enqueue_dma source(%dma_start3A_164 : memref<2048xi32, #tpu.memory_space<hbm>>) target(%arg5 : memref<2048xi32, #tpu.memory_space<vmem>>) target_semaphore(%run_scoped3A : memref<!tpu.dma_semaphore, #tpu.memory_space<semaphore_mem>>)
      %dma_wait3A_165 = tpu.memref_slice %arg3[%mul3A_2] : memref<65536xi32, #tpu.memory_space<hbm>> -> memref<2048xi32, #tpu.memory_space<hbm>>
      %dma_wait3A_166 = tpu.memref_slice %arg3[%mul3A_2] : memref<65536xi32, #tpu.memory_space<hbm>> -> memref<2048xi32, #tpu.memory_space<hbm>>
      tpu.wait_dma2 semaphore(%run_scoped3A : memref<!tpu.dma_semaphore, #tpu.memory_space<semaphore_mem>>) src(%dma_wait3A_166 : memref<2048xi32, #tpu.memory_space<hbm>>) dst(%arg5 : memref<2048xi32, #tpu.memory_space<vmem>>)
      tpu.yield
    }) : () -> ()
    %barrier3A = arith.constant 0 : index
    tpu.barrier barrier_id(%barrier3A)
    %dma_start3A = arith.constant 0 : i32
    %dma_start3A_5 = tpu.memref_slice %arg5[%dma_start3A] : memref<2048xi32, #tpu.memory_space<vmem>> -> memref<256xi32, #tpu.memory_space<vmem>>
    %dma_start3A_6 = arith.constant 0 : i32
    %dma_start3A_7 = arith.constant 0 : i32
    %dma_start3A_8 = tpu.memref_slice %arg15[%dma_start3A_6, %dma_start3A_7] : memref<1024x128xf32, #tpu.memory_space<vmem_shared>> -> memref<1024x128xf32, #tpu.memory_space<vmem_shared>>
    tpu.enqueue_indirect_dma source(%dma_start3A_8 : memref<1024x128xf32, #tpu.memory_space<vmem_shared>>) target(%arg6 : memref<256x128xf32, #tpu.memory_space<vmem>>) offsets(%dma_start3A_5 : memref<256xi32, #tpu.memory_space<vmem>>) semaphore(%arg9 : memref<!tpu.dma_semaphore, #tpu.memory_space<semaphore_mem>>)
    %dma_start3A_9 = arith.constant 256 : i32
    %dma_start3A_10 = tpu.memref_slice %arg5[%dma_start3A_9] : memref<2048xi32, #tpu.memory_space<vmem>> -> memref<256xi32, #tpu.memory_space<vmem>>
    %dma_start3A_11 = arith.constant 0 : i32
    %dma_start3A_12 = arith.constant 0 : i32
    %dma_start3A_13 = tpu.memref_slice %arg15[%dma_start3A_11, %dma_start3A_12] : memref<1024x128xf32, #tpu.memory_space<vmem_shared>> -> memref<1024x128xf32, #tpu.memory_space<vmem_shared>>
    tpu.enqueue_indirect_dma source(%dma_start3A_13 : memref<1024x128xf32, #tpu.memory_space<vmem_shared>>) target(%arg7 : memref<256x128xf32, #tpu.memory_space<vmem>>) offsets(%dma_start3A_10 : memref<256xi32, #tpu.memory_space<vmem>>) semaphore(%arg10 : memref<!tpu.dma_semaphore, #tpu.memory_space<semaphore_mem>>)
    %dma_start3A_14 = arith.constant 512 : i32
    %dma_start3A_15 = tpu.memref_slice %arg5[%dma_start3A_14] : memref<2048xi32, #tpu.memory_space<vmem>> -> memref<256xi32, #tpu.memory_space<vmem>>
    %dma_start3A_16 = arith.constant 0 : i32
    %dma_start3A_17 = arith.constant 0 : i32
    %dma_start3A_18 = tpu.memref_slice %arg15[%dma_start3A_16, %dma_start3A_17] : memref<1024x128xf32, #tpu.memory_space<vmem_shared>> -> memref<1024x128xf32, #tpu.memory_space<vmem_shared>>
    tpu.enqueue_indirect_dma source(%dma_start3A_18 : memref<1024x128xf32, #tpu.memory_space<vmem_shared>>) target(%arg8 : memref<256x128xf32, #tpu.memory_space<vmem>>) offsets(%dma_start3A_15 : memref<256xi32, #tpu.memory_space<vmem>>) semaphore(%arg11 : memref<!tpu.dma_semaphore, #tpu.memory_space<semaphore_mem>>)
    %dma_wait3A = arith.constant 0 : i32
    %dma_wait3A_19 = tpu.memref_slice %arg5[%dma_wait3A] : memref<2048xi32, #tpu.memory_space<vmem>> -> memref<256xi32, #tpu.memory_space<vmem>>
    %dma_wait3A_20 = arith.constant 0 : i32
    %dma_wait3A_21 = arith.constant 0 : i32
    %dma_wait3A_22 = tpu.memref_slice %arg15[%dma_wait3A_20, %dma_wait3A_21] : memref<1024x128xf32, #tpu.memory_space<vmem_shared>> -> memref<1024x128xf32, #tpu.memory_space<vmem_shared>>
    tpu.wait_indirect_dma semaphore(%arg9 : memref<!tpu.dma_semaphore, #tpu.memory_space<semaphore_mem>>) src(%dma_wait3A_22 : memref<1024x128xf32, #tpu.memory_space<vmem_shared>>) dst(%arg6 : memref<256x128xf32, #tpu.memory_space<vmem>>)
    %add3A_23 = arith.constant 0 : i32
    %add3A_24 = arith.addi %mul3A_2, %add3A_23 : i32
    %dma_start3A_25 = arith.constant 0 : i32
    %dma_start3A_26 = tpu.memref_slice %arg4[%add3A_24, %dma_start3A_25] : memref<65536x128xf32, #tpu.memory_space<hbm>> -> memref<256x128xf32, #tpu.memory_space<hbm>>
    %dma_start3A_27 = arith.constant 0 : i32
    %dma_start3A_28 = tpu.memref_slice %arg4[%add3A_24, %dma_start3A_27] : memref<65536x128xf32, #tpu.memory_space<hbm>> -> memref<256x128xf32, #tpu.memory_space<hbm>>
    tpu.enqueue_dma source(%arg6 : memref<256x128xf32, #tpu.memory_space<vmem>>) target(%dma_start3A_28 : memref<256x128xf32, #tpu.memory_space<hbm>>) target_semaphore(%arg12 : memref<!tpu.dma_semaphore, #tpu.memory_space<semaphore_mem>>)
    %dma_wait3A_29 = arith.constant 0 : i32
    %dma_wait3A_30 = tpu.memref_slice %arg4[%add3A_24, %dma_wait3A_29] : memref<65536x128xf32, #tpu.memory_space<hbm>> -> memref<256x128xf32, #tpu.memory_space<hbm>>
    %dma_wait3A_31 = arith.constant 0 : i32
    %dma_wait3A_32 = tpu.memref_slice %arg4[%add3A_24, %dma_wait3A_31] : memref<65536x128xf32, #tpu.memory_space<hbm>> -> memref<256x128xf32, #tpu.memory_space<hbm>>
    tpu.wait_dma2 semaphore(%arg12 : memref<!tpu.dma_semaphore, #tpu.memory_space<semaphore_mem>>) src(%arg6 : memref<256x128xf32, #tpu.memory_space<vmem>>) dst(%dma_wait3A_32 : memref<256x128xf32, #tpu.memory_space<hbm>>)
    %dma_start3A_33 = arith.constant 768 : i32
    %dma_start3A_34 = tpu.memref_slice %arg5[%dma_start3A_33] : memref<2048xi32, #tpu.memory_space<vmem>> -> memref<256xi32, #tpu.memory_space<vmem>>
    %dma_start3A_35 = arith.constant 0 : i32
    %dma_start3A_36 = arith.constant 0 : i32
    %dma_start3A_37 = tpu.memref_slice %arg15[%dma_start3A_35, %dma_start3A_36] : memref<1024x128xf32, #tpu.memory_space<vmem_shared>> -> memref<1024x128xf32, #tpu.memory_space<vmem_shared>>
    tpu.enqueue_indirect_dma source(%dma_start3A_37 : memref<1024x128xf32, #tpu.memory_space<vmem_shared>>) target(%arg6 : memref<256x128xf32, #tpu.memory_space<vmem>>) offsets(%dma_start3A_34 : memref<256xi32, #tpu.memory_space<vmem>>) semaphore(%arg9 : memref<!tpu.dma_semaphore, #tpu.memory_space<semaphore_mem>>)
    %dma_wait3A_38 = arith.constant 256 : i32
    %dma_wait3A_39 = tpu.memref_slice %arg5[%dma_wait3A_38] : memref<2048xi32, #tpu.memory_space<vmem>> -> memref<256xi32, #tpu.memory_space<vmem>>
    %dma_wait3A_40 = arith.constant 0 : i32
    %dma_wait3A_41 = arith.constant 0 : i32
    %dma_wait3A_42 = tpu.memref_slice %arg15[%dma_wait3A_40, %dma_wait3A_41] : memref<1024x128xf32, #tpu.memory_space<vmem_shared>> -> memref<1024x128xf32, #tpu.memory_space<vmem_shared>>
    tpu.wait_indirect_dma semaphore(%arg10 : memref<!tpu.dma_semaphore, #tpu.memory_space<semaphore_mem>>) src(%dma_wait3A_42 : memref<1024x128xf32, #tpu.memory_space<vmem_shared>>) dst(%arg7 : memref<256x128xf32, #tpu.memory_space<vmem>>)
    %add3A_43 = arith.constant 256 : i32
    %add3A_44 = arith.addi %mul3A_2, %add3A_43 : i32
    %dma_start3A_45 = arith.constant 0 : i32
    %dma_start3A_46 = tpu.memref_slice %arg4[%add3A_44, %dma_start3A_45] : memref<65536x128xf32, #tpu.memory_space<hbm>> -> memref<256x128xf32, #tpu.memory_space<hbm>>
    %dma_start3A_47 = arith.constant 0 : i32
    %dma_start3A_48 = tpu.memref_slice %arg4[%add3A_44, %dma_start3A_47] : memref<65536x128xf32, #tpu.memory_space<hbm>> -> memref<256x128xf32, #tpu.memory_space<hbm>>
    tpu.enqueue_dma source(%arg7 : memref<256x128xf32, #tpu.memory_space<vmem>>) target(%dma_start3A_48 : memref<256x128xf32, #tpu.memory_space<hbm>>) target_semaphore(%arg13 : memref<!tpu.dma_semaphore, #tpu.memory_space<semaphore_mem>>)
    %dma_wait3A_49 = arith.constant 0 : i32
    %dma_wait3A_50 = tpu.memref_slice %arg4[%add3A_44, %dma_wait3A_49] : memref<65536x128xf32, #tpu.memory_space<hbm>> -> memref<256x128xf32, #tpu.memory_space<hbm>>
    %dma_wait3A_51 = arith.constant 0 : i32
    %dma_wait3A_52 = tpu.memref_slice %arg4[%add3A_44, %dma_wait3A_51] : memref<65536x128xf32, #tpu.memory_space<hbm>> -> memref<256x128xf32, #tpu.memory_space<hbm>>
    tpu.wait_dma2 semaphore(%arg13 : memref<!tpu.dma_semaphore, #tpu.memory_space<semaphore_mem>>) src(%arg7 : memref<256x128xf32, #tpu.memory_space<vmem>>) dst(%dma_wait3A_52 : memref<256x128xf32, #tpu.memory_space<hbm>>)
    %dma_start3A_53 = arith.constant 1024 : i32
    %dma_start3A_54 = tpu.memref_slice %arg5[%dma_start3A_53] : memref<2048xi32, #tpu.memory_space<vmem>> -> memref<256xi32, #tpu.memory_space<vmem>>
    %dma_start3A_55 = arith.constant 0 : i32
    %dma_start3A_56 = arith.constant 0 : i32
    %dma_start3A_57 = tpu.memref_slice %arg15[%dma_start3A_55, %dma_start3A_56] : memref<1024x128xf32, #tpu.memory_space<vmem_shared>> -> memref<1024x128xf32, #tpu.memory_space<vmem_shared>>
    tpu.enqueue_indirect_dma source(%dma_start3A_57 : memref<1024x128xf32, #tpu.memory_space<vmem_shared>>) target(%arg7 : memref<256x128xf32, #tpu.memory_space<vmem>>) offsets(%dma_start3A_54 : memref<256xi32, #tpu.memory_space<vmem>>) semaphore(%arg10 : memref<!tpu.dma_semaphore, #tpu.memory_space<semaphore_mem>>)
    %dma_wait3A_58 = arith.constant 512 : i32
    %dma_wait3A_59 = tpu.memref_slice %arg5[%dma_wait3A_58] : memref<2048xi32, #tpu.memory_space<vmem>> -> memref<256xi32, #tpu.memory_space<vmem>>
    %dma_wait3A_60 = arith.constant 0 : i32
    %dma_wait3A_61 = arith.constant 0 : i32
    %dma_wait3A_62 = tpu.memref_slice %arg15[%dma_wait3A_60, %dma_wait3A_61] : memref<1024x128xf32, #tpu.memory_space<vmem_shared>> -> memref<1024x128xf32, #tpu.memory_space<vmem_shared>>
    tpu.wait_indirect_dma semaphore(%arg11 : memref<!tpu.dma_semaphore, #tpu.memory_space<semaphore_mem>>) src(%dma_wait3A_62 : memref<1024x128xf32, #tpu.memory_space<vmem_shared>>) dst(%arg8 : memref<256x128xf32, #tpu.memory_space<vmem>>)
    %add3A_63 = arith.constant 512 : i32
    %add3A_64 = arith.addi %mul3A_2, %add3A_63 : i32
    %dma_start3A_65 = arith.constant 0 : i32
    %dma_start3A_66 = tpu.memref_slice %arg4[%add3A_64, %dma_start3A_65] : memref<65536x128xf32, #tpu.memory_space<hbm>> -> memref<256x128xf32, #tpu.memory_space<hbm>>
    %dma_start3A_67 = arith.constant 0 : i32
    %dma_start3A_68 = tpu.memref_slice %arg4[%add3A_64, %dma_start3A_67] : memref<65536x128xf32, #tpu.memory_space<hbm>> -> memref<256x128xf32, #tpu.memory_space<hbm>>
    tpu.enqueue_dma source(%arg8 : memref<256x128xf32, #tpu.memory_space<vmem>>) target(%dma_start3A_68 : memref<256x128xf32, #tpu.memory_space<hbm>>) target_semaphore(%arg14 : memref<!tpu.dma_semaphore, #tpu.memory_space<semaphore_mem>>)
    %dma_wait3A_69 = arith.constant 0 : i32
    %dma_wait3A_70 = tpu.memref_slice %arg4[%add3A_64, %dma_wait3A_69] : memref<65536x128xf32, #tpu.memory_space<hbm>> -> memref<256x128xf32, #tpu.memory_space<hbm>>
    %dma_wait3A_71 = arith.constant 0 : i32
    %dma_wait3A_72 = tpu.memref_slice %arg4[%add3A_64, %dma_wait3A_71] : memref<65536x128xf32, #tpu.memory_space<hbm>> -> memref<256x128xf32, #tpu.memory_space<hbm>>
    tpu.wait_dma2 semaphore(%arg14 : memref<!tpu.dma_semaphore, #tpu.memory_space<semaphore_mem>>) src(%arg8 : memref<256x128xf32, #tpu.memory_space<vmem>>) dst(%dma_wait3A_72 : memref<256x128xf32, #tpu.memory_space<hbm>>)
    %dma_start3A_73 = arith.constant 1280 : i32
    %dma_start3A_74 = tpu.memref_slice %arg5[%dma_start3A_73] : memref<2048xi32, #tpu.memory_space<vmem>> -> memref<256xi32, #tpu.memory_space<vmem>>
    %dma_start3A_75 = arith.constant 0 : i32
    %dma_start3A_76 = arith.constant 0 : i32
    %dma_start3A_77 = tpu.memref_slice %arg15[%dma_start3A_75, %dma_start3A_76] : memref<1024x128xf32, #tpu.memory_space<vmem_shared>> -> memref<1024x128xf32, #tpu.memory_space<vmem_shared>>
    tpu.enqueue_indirect_dma source(%dma_start3A_77 : memref<1024x128xf32, #tpu.memory_space<vmem_shared>>) target(%arg8 : memref<256x128xf32, #tpu.memory_space<vmem>>) offsets(%dma_start3A_74 : memref<256xi32, #tpu.memory_space<vmem>>) semaphore(%arg11 : memref<!tpu.dma_semaphore, #tpu.memory_space<semaphore_mem>>)
    %dma_wait3A_78 = arith.constant 768 : i32
    %dma_wait3A_79 = tpu.memref_slice %arg5[%dma_wait3A_78] : memref<2048xi32, #tpu.memory_space<vmem>> -> memref<256xi32, #tpu.memory_space<vmem>>
    %dma_wait3A_80 = arith.constant 0 : i32
    %dma_wait3A_81 = arith.constant 0 : i32
    %dma_wait3A_82 = tpu.memref_slice %arg15[%dma_wait3A_80, %dma_wait3A_81] : memref<1024x128xf32, #tpu.memory_space<vmem_shared>> -> memref<1024x128xf32, #tpu.memory_space<vmem_shared>>
    tpu.wait_indirect_dma semaphore(%arg9 : memref<!tpu.dma_semaphore, #tpu.memory_space<semaphore_mem>>) src(%dma_wait3A_82 : memref<1024x128xf32, #tpu.memory_space<vmem_shared>>) dst(%arg6 : memref<256x128xf32, #tpu.memory_space<vmem>>)
    %add3A_83 = arith.constant 768 : i32
    %add3A_84 = arith.addi %mul3A_2, %add3A_83 : i32
    %dma_start3A_85 = arith.constant 0 : i32
    %dma_start3A_86 = tpu.memref_slice %arg4[%add3A_84, %dma_start3A_85] : memref<65536x128xf32, #tpu.memory_space<hbm>> -> memref<256x128xf32, #tpu.memory_space<hbm>>
    %dma_start3A_87 = arith.constant 0 : i32
    %dma_start3A_88 = tpu.memref_slice %arg4[%add3A_84, %dma_start3A_87] : memref<65536x128xf32, #tpu.memory_space<hbm>> -> memref<256x128xf32, #tpu.memory_space<hbm>>
    tpu.enqueue_dma source(%arg6 : memref<256x128xf32, #tpu.memory_space<vmem>>) target(%dma_start3A_88 : memref<256x128xf32, #tpu.memory_space<hbm>>) target_semaphore(%arg12 : memref<!tpu.dma_semaphore, #tpu.memory_space<semaphore_mem>>)
    %dma_wait3A_89 = arith.constant 0 : i32
    %dma_wait3A_90 = tpu.memref_slice %arg4[%add3A_84, %dma_wait3A_89] : memref<65536x128xf32, #tpu.memory_space<hbm>> -> memref<256x128xf32, #tpu.memory_space<hbm>>
    %dma_wait3A_91 = arith.constant 0 : i32
    %dma_wait3A_92 = tpu.memref_slice %arg4[%add3A_84, %dma_wait3A_91] : memref<65536x128xf32, #tpu.memory_space<hbm>> -> memref<256x128xf32, #tpu.memory_space<hbm>>
    tpu.wait_dma2 semaphore(%arg12 : memref<!tpu.dma_semaphore, #tpu.memory_space<semaphore_mem>>) src(%arg6 : memref<256x128xf32, #tpu.memory_space<vmem>>) dst(%dma_wait3A_92 : memref<256x128xf32, #tpu.memory_space<hbm>>)
    %dma_start3A_93 = arith.constant 1536 : i32
    %dma_start3A_94 = tpu.memref_slice %arg5[%dma_start3A_93] : memref<2048xi32, #tpu.memory_space<vmem>> -> memref<256xi32, #tpu.memory_space<vmem>>
    %dma_start3A_95 = arith.constant 0 : i32
    %dma_start3A_96 = arith.constant 0 : i32
    %dma_start3A_97 = tpu.memref_slice %arg15[%dma_start3A_95, %dma_start3A_96] : memref<1024x128xf32, #tpu.memory_space<vmem_shared>> -> memref<1024x128xf32, #tpu.memory_space<vmem_shared>>
    tpu.enqueue_indirect_dma source(%dma_start3A_97 : memref<1024x128xf32, #tpu.memory_space<vmem_shared>>) target(%arg6 : memref<256x128xf32, #tpu.memory_space<vmem>>) offsets(%dma_start3A_94 : memref<256xi32, #tpu.memory_space<vmem>>) semaphore(%arg9 : memref<!tpu.dma_semaphore, #tpu.memory_space<semaphore_mem>>)
    %dma_wait3A_98 = arith.constant 1024 : i32
    %dma_wait3A_99 = tpu.memref_slice %arg5[%dma_wait3A_98] : memref<2048xi32, #tpu.memory_space<vmem>> -> memref<256xi32, #tpu.memory_space<vmem>>
    %dma_wait3A_100 = arith.constant 0 : i32
    %dma_wait3A_101 = arith.constant 0 : i32
    %dma_wait3A_102 = tpu.memref_slice %arg15[%dma_wait3A_100, %dma_wait3A_101] : memref<1024x128xf32, #tpu.memory_space<vmem_shared>> -> memref<1024x128xf32, #tpu.memory_space<vmem_shared>>
    tpu.wait_indirect_dma semaphore(%arg10 : memref<!tpu.dma_semaphore, #tpu.memory_space<semaphore_mem>>) src(%dma_wait3A_102 : memref<1024x128xf32, #tpu.memory_space<vmem_shared>>) dst(%arg7 : memref<256x128xf32, #tpu.memory_space<vmem>>)
    %add3A_103 = arith.constant 1024 : i32
    %add3A_104 = arith.addi %mul3A_2, %add3A_103 : i32
    %dma_start3A_105 = arith.constant 0 : i32
    %dma_start3A_106 = tpu.memref_slice %arg4[%add3A_104, %dma_start3A_105] : memref<65536x128xf32, #tpu.memory_space<hbm>> -> memref<256x128xf32, #tpu.memory_space<hbm>>
    %dma_start3A_107 = arith.constant 0 : i32
    %dma_start3A_108 = tpu.memref_slice %arg4[%add3A_104, %dma_start3A_107] : memref<65536x128xf32, #tpu.memory_space<hbm>> -> memref<256x128xf32, #tpu.memory_space<hbm>>
    tpu.enqueue_dma source(%arg7 : memref<256x128xf32, #tpu.memory_space<vmem>>) target(%dma_start3A_108 : memref<256x128xf32, #tpu.memory_space<hbm>>) target_semaphore(%arg13 : memref<!tpu.dma_semaphore, #tpu.memory_space<semaphore_mem>>)
    %dma_wait3A_109 = arith.constant 0 : i32
    %dma_wait3A_110 = tpu.memref_slice %arg4[%add3A_104, %dma_wait3A_109] : memref<65536x128xf32, #tpu.memory_space<hbm>> -> memref<256x128xf32, #tpu.memory_space<hbm>>
    %dma_wait3A_111 = arith.constant 0 : i32
    %dma_wait3A_112 = tpu.memref_slice %arg4[%add3A_104, %dma_wait3A_111] : memref<65536x128xf32, #tpu.memory_space<hbm>> -> memref<256x128xf32, #tpu.memory_space<hbm>>
    tpu.wait_dma2 semaphore(%arg13 : memref<!tpu.dma_semaphore, #tpu.memory_space<semaphore_mem>>) src(%arg7 : memref<256x128xf32, #tpu.memory_space<vmem>>) dst(%dma_wait3A_112 : memref<256x128xf32, #tpu.memory_space<hbm>>)
    %dma_start3A_113 = arith.constant 1792 : i32
    %dma_start3A_114 = tpu.memref_slice %arg5[%dma_start3A_113] : memref<2048xi32, #tpu.memory_space<vmem>> -> memref<256xi32, #tpu.memory_space<vmem>>
    %dma_start3A_115 = arith.constant 0 : i32
    %dma_start3A_116 = arith.constant 0 : i32
    %dma_start3A_117 = tpu.memref_slice %arg15[%dma_start3A_115, %dma_start3A_116] : memref<1024x128xf32, #tpu.memory_space<vmem_shared>> -> memref<1024x128xf32, #tpu.memory_space<vmem_shared>>
    tpu.enqueue_indirect_dma source(%dma_start3A_117 : memref<1024x128xf32, #tpu.memory_space<vmem_shared>>) target(%arg7 : memref<256x128xf32, #tpu.memory_space<vmem>>) offsets(%dma_start3A_114 : memref<256xi32, #tpu.memory_space<vmem>>) semaphore(%arg10 : memref<!tpu.dma_semaphore, #tpu.memory_space<semaphore_mem>>)
    %dma_wait3A_118 = arith.constant 1280 : i32
    %dma_wait3A_119 = tpu.memref_slice %arg5[%dma_wait3A_118] : memref<2048xi32, #tpu.memory_space<vmem>> -> memref<256xi32, #tpu.memory_space<vmem>>
    %dma_wait3A_120 = arith.constant 0 : i32
    %dma_wait3A_121 = arith.constant 0 : i32
    %dma_wait3A_122 = tpu.memref_slice %arg15[%dma_wait3A_120, %dma_wait3A_121] : memref<1024x128xf32, #tpu.memory_space<vmem_shared>> -> memref<1024x128xf32, #tpu.memory_space<vmem_shared>>
    tpu.wait_indirect_dma semaphore(%arg11 : memref<!tpu.dma_semaphore, #tpu.memory_space<semaphore_mem>>) src(%dma_wait3A_122 : memref<1024x128xf32, #tpu.memory_space<vmem_shared>>) dst(%arg8 : memref<256x128xf32, #tpu.memory_space<vmem>>)
    %add3A_123 = arith.constant 1280 : i32
    %add3A_124 = arith.addi %mul3A_2, %add3A_123 : i32
    %dma_start3A_125 = arith.constant 0 : i32
    %dma_start3A_126 = tpu.memref_slice %arg4[%add3A_124, %dma_start3A_125] : memref<65536x128xf32, #tpu.memory_space<hbm>> -> memref<256x128xf32, #tpu.memory_space<hbm>>
    %dma_start3A_127 = arith.constant 0 : i32
    %dma_start3A_128 = tpu.memref_slice %arg4[%add3A_124, %dma_start3A_127] : memref<65536x128xf32, #tpu.memory_space<hbm>> -> memref<256x128xf32, #tpu.memory_space<hbm>>
    tpu.enqueue_dma source(%arg8 : memref<256x128xf32, #tpu.memory_space<vmem>>) target(%dma_start3A_128 : memref<256x128xf32, #tpu.memory_space<hbm>>) target_semaphore(%arg14 : memref<!tpu.dma_semaphore, #tpu.memory_space<semaphore_mem>>)
    %dma_wait3A_129 = arith.constant 1536 : i32
    %dma_wait3A_130 = tpu.memref_slice %arg5[%dma_wait3A_129] : memref<2048xi32, #tpu.memory_space<vmem>> -> memref<256xi32, #tpu.memory_space<vmem>>
    %dma_wait3A_131 = arith.constant 0 : i32
    %dma_wait3A_132 = arith.constant 0 : i32
    %dma_wait3A_133 = tpu.memref_slice %arg15[%dma_wait3A_131, %dma_wait3A_132] : memref<1024x128xf32, #tpu.memory_space<vmem_shared>> -> memref<1024x128xf32, #tpu.memory_space<vmem_shared>>
    tpu.wait_indirect_dma semaphore(%arg9 : memref<!tpu.dma_semaphore, #tpu.memory_space<semaphore_mem>>) src(%dma_wait3A_133 : memref<1024x128xf32, #tpu.memory_space<vmem_shared>>) dst(%arg6 : memref<256x128xf32, #tpu.memory_space<vmem>>)
    %add3A_134 = arith.constant 1536 : i32
    %add3A_135 = arith.addi %mul3A_2, %add3A_134 : i32
    %dma_start3A_136 = arith.constant 0 : i32
    %dma_start3A_137 = tpu.memref_slice %arg4[%add3A_135, %dma_start3A_136] : memref<65536x128xf32, #tpu.memory_space<hbm>> -> memref<256x128xf32, #tpu.memory_space<hbm>>
    %dma_start3A_138 = arith.constant 0 : i32
    %dma_start3A_139 = tpu.memref_slice %arg4[%add3A_135, %dma_start3A_138] : memref<65536x128xf32, #tpu.memory_space<hbm>> -> memref<256x128xf32, #tpu.memory_space<hbm>>
    tpu.enqueue_dma source(%arg6 : memref<256x128xf32, #tpu.memory_space<vmem>>) target(%dma_start3A_139 : memref<256x128xf32, #tpu.memory_space<hbm>>) target_semaphore(%arg12 : memref<!tpu.dma_semaphore, #tpu.memory_space<semaphore_mem>>)
    %dma_wait3A_140 = arith.constant 1792 : i32
    %dma_wait3A_141 = tpu.memref_slice %arg5[%dma_wait3A_140] : memref<2048xi32, #tpu.memory_space<vmem>> -> memref<256xi32, #tpu.memory_space<vmem>>
    %dma_wait3A_142 = arith.constant 0 : i32
    %dma_wait3A_143 = arith.constant 0 : i32
    %dma_wait3A_144 = tpu.memref_slice %arg15[%dma_wait3A_142, %dma_wait3A_143] : memref<1024x128xf32, #tpu.memory_space<vmem_shared>> -> memref<1024x128xf32, #tpu.memory_space<vmem_shared>>
    tpu.wait_indirect_dma semaphore(%arg10 : memref<!tpu.dma_semaphore, #tpu.memory_space<semaphore_mem>>) src(%dma_wait3A_144 : memref<1024x128xf32, #tpu.memory_space<vmem_shared>>) dst(%arg7 : memref<256x128xf32, #tpu.memory_space<vmem>>)
    %add3A_145 = arith.constant 1792 : i32
    %add3A_146 = arith.addi %mul3A_2, %add3A_145 : i32
    %dma_start3A_147 = arith.constant 0 : i32
    %dma_start3A_148 = tpu.memref_slice %arg4[%add3A_146, %dma_start3A_147] : memref<65536x128xf32, #tpu.memory_space<hbm>> -> memref<256x128xf32, #tpu.memory_space<hbm>>
    %dma_start3A_149 = arith.constant 0 : i32
    %dma_start3A_150 = tpu.memref_slice %arg4[%add3A_146, %dma_start3A_149] : memref<65536x128xf32, #tpu.memory_space<hbm>> -> memref<256x128xf32, #tpu.memory_space<hbm>>
    tpu.enqueue_dma source(%arg7 : memref<256x128xf32, #tpu.memory_space<vmem>>) target(%dma_start3A_150 : memref<256x128xf32, #tpu.memory_space<hbm>>) target_semaphore(%arg13 : memref<!tpu.dma_semaphore, #tpu.memory_space<semaphore_mem>>)
    %dma_wait3A_151 = arith.constant 0 : i32
    %dma_wait3A_152 = tpu.memref_slice %arg4[%add3A_124, %dma_wait3A_151] : memref<65536x128xf32, #tpu.memory_space<hbm>> -> memref<256x128xf32, #tpu.memory_space<hbm>>
    %dma_wait3A_153 = arith.constant 0 : i32
    %dma_wait3A_154 = tpu.memref_slice %arg4[%add3A_124, %dma_wait3A_153] : memref<65536x128xf32, #tpu.memory_space<hbm>> -> memref<256x128xf32, #tpu.memory_space<hbm>>
    tpu.wait_dma2 semaphore(%arg14 : memref<!tpu.dma_semaphore, #tpu.memory_space<semaphore_mem>>) src(%arg8 : memref<256x128xf32, #tpu.memory_space<vmem>>) dst(%dma_wait3A_154 : memref<256x128xf32, #tpu.memory_space<hbm>>)
    %dma_wait3A_155 = arith.constant 0 : i32
    %dma_wait3A_156 = tpu.memref_slice %arg4[%add3A_135, %dma_wait3A_155] : memref<65536x128xf32, #tpu.memory_space<hbm>> -> memref<256x128xf32, #tpu.memory_space<hbm>>
    %dma_wait3A_157 = arith.constant 0 : i32
    %dma_wait3A_158 = tpu.memref_slice %arg4[%add3A_135, %dma_wait3A_157] : memref<65536x128xf32, #tpu.memory_space<hbm>> -> memref<256x128xf32, #tpu.memory_space<hbm>>
    tpu.wait_dma2 semaphore(%arg12 : memref<!tpu.dma_semaphore, #tpu.memory_space<semaphore_mem>>) src(%arg6 : memref<256x128xf32, #tpu.memory_space<vmem>>) dst(%dma_wait3A_158 : memref<256x128xf32, #tpu.memory_space<hbm>>)
    %dma_wait3A_159 = arith.constant 0 : i32
    %dma_wait3A_160 = tpu.memref_slice %arg4[%add3A_146, %dma_wait3A_159] : memref<65536x128xf32, #tpu.memory_space<hbm>> -> memref<256x128xf32, #tpu.memory_space<hbm>>
    %dma_wait3A_161 = arith.constant 0 : i32
    %dma_wait3A_162 = tpu.memref_slice %arg4[%add3A_146, %dma_wait3A_161] : memref<65536x128xf32, #tpu.memory_space<hbm>> -> memref<256x128xf32, #tpu.memory_space<hbm>>
    tpu.wait_dma2 semaphore(%arg13 : memref<!tpu.dma_semaphore, #tpu.memory_space<semaphore_mem>>) src(%arg7 : memref<256x128xf32, #tpu.memory_space<vmem>>) dst(%dma_wait3A_162 : memref<256x128xf32, #tpu.memory_space<hbm>>)
    return
  }
}

module attributes {stable_mosaic.version = 14 : i64} {
  func.func @_tc_body(%arg0: i32, %arg1: memref<2048x2xf32, #tpu.memory_space<vmem>>, %arg2: memref<2x64xf32, #tpu.memory_space<vmem>>, %arg3: memref<1x64xf32, #tpu.memory_space<vmem>>, %arg4: memref<1x64xf32, #tpu.memory_space<vmem>>, %arg5: memref<1x64xf32, #tpu.memory_space<vmem>>, %arg6: memref<64x64xbf16, #tpu.memory_space<vmem>>, %arg7: memref<1x64xf32, #tpu.memory_space<vmem>>, %arg8: memref<64x1024xbf16, #tpu.memory_space<vmem>>, %arg9: memref<1024x64xf32, #tpu.memory_space<vmem>>, %arg10: memref<2048x1xi32, #tpu.memory_space<vmem>>, %arg11: memref<1x1xf32, #tpu.memory_space<vmem>>, %arg12: memref<1x1024xf32, #tpu.memory_space<vmem>>) attributes {dimension_semantics = [#tpu.dimension_semantics<arbitrary>], iteration_bounds = array<i64: 32>, scalar_prefetch = 0 : i64, scratch_operands = 1 : i64, tpu.core_type = #tpu.core_type<tc>, window_params = [{transform_indices = @transform_0, window_bounds = array<i64: 2048, 2>}, {pipeline_mode = #tpu.pipeline_mode<synchronous>, transform_indices = @transform_1, window_bounds = array<i64: 2, 64>}, {pipeline_mode = #tpu.pipeline_mode<synchronous>, transform_indices = @transform_2, window_bounds = array<i64: 1, 64>}, {pipeline_mode = #tpu.pipeline_mode<synchronous>, transform_indices = @transform_3, window_bounds = array<i64: 1, 64>}, {pipeline_mode = #tpu.pipeline_mode<synchronous>, transform_indices = @transform_4, window_bounds = array<i64: 1, 64>}, {pipeline_mode = #tpu.pipeline_mode<synchronous>, transform_indices = @transform_5, window_bounds = array<i64: 64, 64>}, {pipeline_mode = #tpu.pipeline_mode<synchronous>, transform_indices = @transform_6, window_bounds = array<i64: 1, 64>}, {pipeline_mode = #tpu.pipeline_mode<synchronous>, transform_indices = @transform_7, window_bounds = array<i64: 64, 1024>}, {pipeline_mode = #tpu.pipeline_mode<synchronous>, transform_indices = @transform_8, window_bounds = array<i64: 1024, 64>}, {transform_indices = @transform_9, window_bounds = array<i64: 2048, 1>}, {pipeline_mode = #tpu.pipeline_mode<synchronous>, transform_indices = @transform_10, window_bounds = array<i64: 1, 1>}]} {
    %eq3A = arith.constant 0 : i32
    %eq3A_0 = arith.cmpi eq, %arg0, %eq3A : i32
    %convert_element_type3A = arith.extui %eq3A_0 : i1 to i32
    %cond3A = arith.constant 0 : i32
    %cond3A_1 = arith.cmpi ne, %convert_element_type3A, %cond3A : i32
    scf.if %cond3A_1 {
      %get3A_286 = arith.constant 0 : index
      %get3A_287 = arith.constant 0 : index
      %get3A_288 = vector.load %arg9[%get3A_286, %get3A_287] : memref<1024x64xf32, #tpu.memory_space<vmem>>, vector<1024x64xf32>
      %integer_pow3A_289 = arith.mulf %get3A_288, %get3A_288 : vector<1024x64xf32>
      %slice3A_290 = vector.extract_strided_slice %integer_pow3A_289 {offsets = [0, 0], sizes = [1024, 8], strides = [1, 1]} : vector<1024x64xf32> to vector<1024x8xf32>
      %slice3A_291 = vector.extract_strided_slice %integer_pow3A_289 {offsets = [0, 8], sizes = [1024, 8], strides = [1, 1]} : vector<1024x64xf32> to vector<1024x8xf32>
      %add3A_292 = arith.addf %slice3A_290, %slice3A_291 : vector<1024x8xf32>
      %slice3A_293 = vector.extract_strided_slice %integer_pow3A_289 {offsets = [0, 16], sizes = [1024, 8], strides = [1, 1]} : vector<1024x64xf32> to vector<1024x8xf32>
      %add3A_294 = arith.addf %add3A_292, %slice3A_293 : vector<1024x8xf32>
      %slice3A_295 = vector.extract_strided_slice %integer_pow3A_289 {offsets = [0, 24], sizes = [1024, 8], strides = [1, 1]} : vector<1024x64xf32> to vector<1024x8xf32>
      %add3A_296 = arith.addf %add3A_294, %slice3A_295 : vector<1024x8xf32>
      %slice3A_297 = vector.extract_strided_slice %integer_pow3A_289 {offsets = [0, 32], sizes = [1024, 8], strides = [1, 1]} : vector<1024x64xf32> to vector<1024x8xf32>
      %add3A_298 = arith.addf %add3A_296, %slice3A_297 : vector<1024x8xf32>
      %slice3A_299 = vector.extract_strided_slice %integer_pow3A_289 {offsets = [0, 40], sizes = [1024, 8], strides = [1, 1]} : vector<1024x64xf32> to vector<1024x8xf32>
      %add3A_300 = arith.addf %add3A_298, %slice3A_299 : vector<1024x8xf32>
      %slice3A_301 = vector.extract_strided_slice %integer_pow3A_289 {offsets = [0, 48], sizes = [1024, 8], strides = [1, 1]} : vector<1024x64xf32> to vector<1024x8xf32>
      %add3A_302 = arith.addf %add3A_300, %slice3A_301 : vector<1024x8xf32>
      %slice3A_303 = vector.extract_strided_slice %integer_pow3A_289 {offsets = [0, 56], sizes = [1024, 8], strides = [1, 1]} : vector<1024x64xf32> to vector<1024x8xf32>
      %add3A_304 = arith.addf %add3A_302, %slice3A_303 : vector<1024x8xf32>
      %slice3A_305 = vector.extract_strided_slice %add3A_304 {offsets = [0, 0], sizes = [1024, 4], strides = [1, 1]} : vector<1024x8xf32> to vector<1024x4xf32>
      %slice3A_306 = vector.extract_strided_slice %add3A_304 {offsets = [0, 4], sizes = [1024, 4], strides = [1, 1]} : vector<1024x8xf32> to vector<1024x4xf32>
      %add3A_307 = arith.addf %slice3A_305, %slice3A_306 : vector<1024x4xf32>
      %slice3A_308 = vector.extract_strided_slice %add3A_307 {offsets = [0, 0], sizes = [1024, 2], strides = [1, 1]} : vector<1024x4xf32> to vector<1024x2xf32>
      %slice3A_309 = vector.extract_strided_slice %add3A_307 {offsets = [0, 2], sizes = [1024, 2], strides = [1, 1]} : vector<1024x4xf32> to vector<1024x2xf32>
      %add3A_310 = arith.addf %slice3A_308, %slice3A_309 : vector<1024x2xf32>
      %slice3A_311 = vector.extract_strided_slice %add3A_310 {offsets = [0, 0], sizes = [1024, 1], strides = [1, 1]} : vector<1024x2xf32> to vector<1024x1xf32>
      %slice3A_312 = vector.extract_strided_slice %add3A_310 {offsets = [0, 1], sizes = [1024, 1], strides = [1, 1]} : vector<1024x2xf32> to vector<1024x1xf32>
      %add3A_313 = arith.addf %slice3A_311, %slice3A_312 : vector<1024x1xf32>
      %reshape3A_314 = vector.shape_cast %add3A_313 : vector<1024x1xf32> to vector<1x1024xf32>
      %swap3A_315 = arith.constant 0 : index
      %swap3A_316 = arith.constant 0 : index
      %swap3A_317 = vector.load %arg12[%swap3A_315, %swap3A_316] : memref<1x1024xf32, #tpu.memory_space<vmem>>, vector<1x1024xf32>
      tpu.vector_store %arg12[%swap3A_315, %swap3A_316], %reshape3A_314 {strides = array<i32>} : memref<1x1024xf32, #tpu.memory_space<vmem>>, vector<1x1024xf32>,
    } else {
    }
    %get3A = arith.constant 0 : index
    %get3A_2 = arith.constant 0 : index
    %get3A_3 = vector.load %arg1[%get3A, %get3A_2] : memref<2048x2xf32, #tpu.memory_space<vmem>>, vector<2048x2xf32>
    %get3A_4 = arith.constant 0 : index
    %get3A_5 = arith.constant 0 : index
    %get3A_6 = vector.load %arg2[%get3A_4, %get3A_5] : memref<2x64xf32, #tpu.memory_space<vmem>>, vector<2x64xf32>
    %convert_element_type3A_7 = arith.truncf %get3A_3 : vector<2048x2xf32> to vector<2048x2xbf16>
    %convert_element_type3A_8 = arith.extf %convert_element_type3A_7 : vector<2048x2xbf16> to vector<2048x2xf32>
    %convert_element_type3A_9 = arith.truncf %get3A_6 : vector<2x64xf32> to vector<2x64xbf16>
    %convert_element_type3A_10 = arith.extf %convert_element_type3A_9 : vector<2x64xbf16> to vector<2x64xf32>
    %slice3A = vector.extract_strided_slice %convert_element_type3A_8 {offsets = [0, 0], sizes = [2048, 1], strides = [1, 1]} : vector<2048x2xf32> to vector<2048x1xf32>
    %slice3A_11 = vector.extract_strided_slice %convert_element_type3A_10 {offsets = [0, 0], sizes = [1, 64], strides = [1, 1]} : vector<2x64xf32> to vector<1x64xf32>
    %mul3A = vector.broadcast %slice3A : vector<2048x1xf32> to vector<2048x64xf32>
    %mul3A_12 = vector.broadcast %slice3A_11 : vector<1x64xf32> to vector<2048x64xf32>
    %mul3A_13 = arith.mulf %mul3A, %mul3A_12 : vector<2048x64xf32>
    %slice3A_14 = vector.extract_strided_slice %convert_element_type3A_8 {offsets = [0, 1], sizes = [2048, 1], strides = [1, 1]} : vector<2048x2xf32> to vector<2048x1xf32>
    %slice3A_15 = vector.extract_strided_slice %convert_element_type3A_10 {offsets = [1, 0], sizes = [1, 64], strides = [1, 1]} : vector<2x64xf32> to vector<1x64xf32>
    %mul3A_16 = vector.broadcast %slice3A_14 : vector<2048x1xf32> to vector<2048x64xf32>
    %mul3A_17 = vector.broadcast %slice3A_15 : vector<1x64xf32> to vector<2048x64xf32>
    %mul3A_18 = arith.mulf %mul3A_16, %mul3A_17 : vector<2048x64xf32>
    %add3A = arith.addf %mul3A_13, %mul3A_18 : vector<2048x64xf32>
    %get3A_19 = arith.constant 0 : index
    %get3A_20 = arith.constant 0 : index
    %get3A_21 = vector.load %arg3[%get3A_19, %get3A_20] : memref<1x64xf32, #tpu.memory_space<vmem>>, vector<1x64xf32>
    %add3A_22 = vector.broadcast %get3A_21 : vector<1x64xf32> to vector<2048x64xf32>
    %add3A_23 = arith.addf %add3A, %add3A_22 : vector<2048x64xf32>
    %slice3A_24 = vector.extract_strided_slice %add3A_23 {offsets = [0, 0], sizes = [2048, 32], strides = [1, 1]} : vector<2048x64xf32> to vector<2048x32xf32>
    %slice3A_25 = vector.extract_strided_slice %add3A_23 {offsets = [0, 32], sizes = [2048, 32], strides = [1, 1]} : vector<2048x64xf32> to vector<2048x32xf32>
    %add3A_26 = arith.addf %slice3A_24, %slice3A_25 : vector<2048x32xf32>
    %slice3A_27 = vector.extract_strided_slice %add3A_26 {offsets = [0, 0], sizes = [2048, 16], strides = [1, 1]} : vector<2048x32xf32> to vector<2048x16xf32>
    %slice3A_28 = vector.extract_strided_slice %add3A_26 {offsets = [0, 16], sizes = [2048, 16], strides = [1, 1]} : vector<2048x32xf32> to vector<2048x16xf32>
    %add3A_29 = arith.addf %slice3A_27, %slice3A_28 : vector<2048x16xf32>
    %slice3A_30 = vector.extract_strided_slice %add3A_29 {offsets = [0, 0], sizes = [2048, 8], strides = [1, 1]} : vector<2048x16xf32> to vector<2048x8xf32>
    %slice3A_31 = vector.extract_strided_slice %add3A_29 {offsets = [0, 8], sizes = [2048, 8], strides = [1, 1]} : vector<2048x16xf32> to vector<2048x8xf32>
    %add3A_32 = arith.addf %slice3A_30, %slice3A_31 : vector<2048x8xf32>
    %slice3A_33 = vector.extract_strided_slice %add3A_32 {offsets = [0, 0], sizes = [2048, 4], strides = [1, 1]} : vector<2048x8xf32> to vector<2048x4xf32>
    %slice3A_34 = vector.extract_strided_slice %add3A_32 {offsets = [0, 4], sizes = [2048, 4], strides = [1, 1]} : vector<2048x8xf32> to vector<2048x4xf32>
    %add3A_35 = arith.addf %slice3A_33, %slice3A_34 : vector<2048x4xf32>
    %slice3A_36 = vector.extract_strided_slice %add3A_35 {offsets = [0, 0], sizes = [2048, 2], strides = [1, 1]} : vector<2048x4xf32> to vector<2048x2xf32>
    %slice3A_37 = vector.extract_strided_slice %add3A_35 {offsets = [0, 2], sizes = [2048, 2], strides = [1, 1]} : vector<2048x4xf32> to vector<2048x2xf32>
    %add3A_38 = arith.addf %slice3A_36, %slice3A_37 : vector<2048x2xf32>
    %slice3A_39 = vector.extract_strided_slice %add3A_38 {offsets = [0, 0], sizes = [2048, 1], strides = [1, 1]} : vector<2048x2xf32> to vector<2048x1xf32>
    %slice3A_40 = vector.extract_strided_slice %add3A_38 {offsets = [0, 1], sizes = [2048, 1], strides = [1, 1]} : vector<2048x2xf32> to vector<2048x1xf32>
    %add3A_41 = arith.addf %slice3A_39, %slice3A_40 : vector<2048x1xf32>
    %div3A = arith.constant 6.400000e+01 : f32
    %div3A_42 = vector.broadcast %div3A : f32 to vector<2048x1xf32>
    %div3A_43 = arith.divf %add3A_41, %div3A_42 : vector<2048x1xf32>
    %sub3A = vector.broadcast %div3A_43 : vector<2048x1xf32> to vector<2048x64xf32>
    %sub3A_44 = arith.subf %add3A_23, %sub3A : vector<2048x64xf32>
    %integer_pow3A = arith.mulf %sub3A_44, %sub3A_44 : vector<2048x64xf32>
    %slice3A_45 = vector.extract_strided_slice %integer_pow3A {offsets = [0, 0], sizes = [2048, 8], strides = [1, 1]} : vector<2048x64xf32> to vector<2048x8xf32>
    %slice3A_46 = vector.extract_strided_slice %integer_pow3A {offsets = [0, 8], sizes = [2048, 8], strides = [1, 1]} : vector<2048x64xf32> to vector<2048x8xf32>
    %add3A_47 = arith.addf %slice3A_45, %slice3A_46 : vector<2048x8xf32>
    %slice3A_48 = vector.extract_strided_slice %integer_pow3A {offsets = [0, 16], sizes = [2048, 8], strides = [1, 1]} : vector<2048x64xf32> to vector<2048x8xf32>
    %add3A_49 = arith.addf %add3A_47, %slice3A_48 : vector<2048x8xf32>
    %slice3A_50 = vector.extract_strided_slice %integer_pow3A {offsets = [0, 24], sizes = [2048, 8], strides = [1, 1]} : vector<2048x64xf32> to vector<2048x8xf32>
    %add3A_51 = arith.addf %add3A_49, %slice3A_50 : vector<2048x8xf32>
    %slice3A_52 = vector.extract_strided_slice %integer_pow3A {offsets = [0, 32], sizes = [2048, 8], strides = [1, 1]} : vector<2048x64xf32> to vector<2048x8xf32>
    %add3A_53 = arith.addf %add3A_51, %slice3A_52 : vector<2048x8xf32>
    %slice3A_54 = vector.extract_strided_slice %integer_pow3A {offsets = [0, 40], sizes = [2048, 8], strides = [1, 1]} : vector<2048x64xf32> to vector<2048x8xf32>
    %add3A_55 = arith.addf %add3A_53, %slice3A_54 : vector<2048x8xf32>
    %slice3A_56 = vector.extract_strided_slice %integer_pow3A {offsets = [0, 48], sizes = [2048, 8], strides = [1, 1]} : vector<2048x64xf32> to vector<2048x8xf32>
    %add3A_57 = arith.addf %add3A_55, %slice3A_56 : vector<2048x8xf32>
    %slice3A_58 = vector.extract_strided_slice %integer_pow3A {offsets = [0, 56], sizes = [2048, 8], strides = [1, 1]} : vector<2048x64xf32> to vector<2048x8xf32>
    %add3A_59 = arith.addf %add3A_57, %slice3A_58 : vector<2048x8xf32>
    %slice3A_60 = vector.extract_strided_slice %add3A_59 {offsets = [0, 0], sizes = [2048, 4], strides = [1, 1]} : vector<2048x8xf32> to vector<2048x4xf32>
    %slice3A_61 = vector.extract_strided_slice %add3A_59 {offsets = [0, 4], sizes = [2048, 4], strides = [1, 1]} : vector<2048x8xf32> to vector<2048x4xf32>
    %add3A_62 = arith.addf %slice3A_60, %slice3A_61 : vector<2048x4xf32>
    %slice3A_63 = vector.extract_strided_slice %add3A_62 {offsets = [0, 0], sizes = [2048, 2], strides = [1, 1]} : vector<2048x4xf32> to vector<2048x2xf32>
    %slice3A_64 = vector.extract_strided_slice %add3A_62 {offsets = [0, 2], sizes = [2048, 2], strides = [1, 1]} : vector<2048x4xf32> to vector<2048x2xf32>
    %add3A_65 = arith.addf %slice3A_63, %slice3A_64 : vector<2048x2xf32>
    %slice3A_66 = vector.extract_strided_slice %add3A_65 {offsets = [0, 0], sizes = [2048, 1], strides = [1, 1]} : vector<2048x2xf32> to vector<2048x1xf32>
    %slice3A_67 = vector.extract_strided_slice %add3A_65 {offsets = [0, 1], sizes = [2048, 1], strides = [1, 1]} : vector<2048x2xf32> to vector<2048x1xf32>
    %add3A_68 = arith.addf %slice3A_66, %slice3A_67 : vector<2048x1xf32>
    %div3A_69 = arith.constant 6.400000e+01 : f32
    %div3A_70 = vector.broadcast %div3A_69 : f32 to vector<2048x1xf32>
    %div3A_71 = arith.divf %add3A_68, %div3A_70 : vector<2048x1xf32>
    %sub3A_72 = vector.broadcast %div3A_43 : vector<2048x1xf32> to vector<2048x64xf32>
    %sub3A_73 = arith.subf %add3A_23, %sub3A_72 : vector<2048x64xf32>
    %add3A_74 = arith.constant 9.99999974E-6 : f32
    %add3A_75 = vector.broadcast %add3A_74 : f32 to vector<2048x1xf32>
    %add3A_76 = arith.addf %div3A_71, %add3A_75 : vector<2048x1xf32>
    %sqrt3A = math.sqrt %add3A_76 : vector<2048x1xf32>
    %div3A_77 = vector.broadcast %sqrt3A : vector<2048x1xf32> to vector<2048x64xf32>
    %div3A_78 = arith.divf %sub3A_73, %div3A_77 : vector<2048x64xf32>
    %get3A_79 = arith.constant 0 : index
    %get3A_80 = arith.constant 0 : index
    %get3A_81 = vector.load %arg4[%get3A_79, %get3A_80] : memref<1x64xf32, #tpu.memory_space<vmem>>, vector<1x64xf32>
    %mul3A_82 = vector.broadcast %get3A_81 : vector<1x64xf32> to vector<2048x64xf32>
    %mul3A_83 = arith.mulf %div3A_78, %mul3A_82 : vector<2048x64xf32>
    %get3A_84 = arith.constant 0 : index
    %get3A_85 = arith.constant 0 : index
    %get3A_86 = vector.load %arg5[%get3A_84, %get3A_85] : memref<1x64xf32, #tpu.memory_space<vmem>>, vector<1x64xf32>
    %add3A_87 = vector.broadcast %get3A_86 : vector<1x64xf32> to vector<2048x64xf32>
    %add3A_88 = arith.addf %mul3A_83, %add3A_87 : vector<2048x64xf32>
    %max3A = arith.constant 0.000000e+00 : f32
    %max3A_89 = vector.broadcast %max3A : f32 to vector<2048x64xf32>
    %max3A_90 = arith.maximumf %add3A_88, %max3A_89 : vector<2048x64xf32>
    %convert_element_type3A_91 = arith.truncf %max3A_90 : vector<2048x64xf32> to vector<2048x64xbf16>
    %get3A_92 = arith.constant 0 : index
    %get3A_93 = arith.constant 0 : index
    %get3A_94 = vector.load %arg6[%get3A_92, %get3A_93] : memref<64x64xbf16, #tpu.memory_space<vmem>>, vector<64x64xbf16>
    %dot_general3A = arith.constant dense<0.000000e+00> : vector<2048x64xf32>
    %dot_general3A_95 = tpu.matmul %convert_element_type3A_91, %get3A_94, %dot_general3A {dimension_numbers = #tpu.dot_dimension_numbers<[1], [0], [0], [1], [0, 0, 1, 1], [], []>, transpose_lhs_hint = false} : vector<2048x64xbf16>, vector<64x64xbf16>, vector<2048x64xf32> -> vector<2048x64xf32>
    %get3A_96 = arith.constant 0 : index
    %get3A_97 = arith.constant 0 : index
    %get3A_98 = vector.load %arg7[%get3A_96, %get3A_97] : memref<1x64xf32, #tpu.memory_space<vmem>>, vector<1x64xf32>
    %add3A_99 = vector.broadcast %get3A_98 : vector<1x64xf32> to vector<2048x64xf32>
    %add3A_100 = arith.addf %dot_general3A_95, %add3A_99 : vector<2048x64xf32>
    %integer_pow3A_101 = arith.mulf %add3A_100, %add3A_100 : vector<2048x64xf32>
    %slice3A_102 = vector.extract_strided_slice %integer_pow3A_101 {offsets = [0, 0], sizes = [2048, 8], strides = [1, 1]} : vector<2048x64xf32> to vector<2048x8xf32>
    %slice3A_103 = vector.extract_strided_slice %integer_pow3A_101 {offsets = [0, 8], sizes = [2048, 8], strides = [1, 1]} : vector<2048x64xf32> to vector<2048x8xf32>
    %add3A_104 = arith.addf %slice3A_102, %slice3A_103 : vector<2048x8xf32>
    %slice3A_105 = vector.extract_strided_slice %integer_pow3A_101 {offsets = [0, 16], sizes = [2048, 8], strides = [1, 1]} : vector<2048x64xf32> to vector<2048x8xf32>
    %add3A_106 = arith.addf %add3A_104, %slice3A_105 : vector<2048x8xf32>
    %slice3A_107 = vector.extract_strided_slice %integer_pow3A_101 {offsets = [0, 24], sizes = [2048, 8], strides = [1, 1]} : vector<2048x64xf32> to vector<2048x8xf32>
    %add3A_108 = arith.addf %add3A_106, %slice3A_107 : vector<2048x8xf32>
    %slice3A_109 = vector.extract_strided_slice %integer_pow3A_101 {offsets = [0, 32], sizes = [2048, 8], strides = [1, 1]} : vector<2048x64xf32> to vector<2048x8xf32>
    %add3A_110 = arith.addf %add3A_108, %slice3A_109 : vector<2048x8xf32>
    %slice3A_111 = vector.extract_strided_slice %integer_pow3A_101 {offsets = [0, 40], sizes = [2048, 8], strides = [1, 1]} : vector<2048x64xf32> to vector<2048x8xf32>
    %add3A_112 = arith.addf %add3A_110, %slice3A_111 : vector<2048x8xf32>
    %slice3A_113 = vector.extract_strided_slice %integer_pow3A_101 {offsets = [0, 48], sizes = [2048, 8], strides = [1, 1]} : vector<2048x64xf32> to vector<2048x8xf32>
    %add3A_114 = arith.addf %add3A_112, %slice3A_113 : vector<2048x8xf32>
    %slice3A_115 = vector.extract_strided_slice %integer_pow3A_101 {offsets = [0, 56], sizes = [2048, 8], strides = [1, 1]} : vector<2048x64xf32> to vector<2048x8xf32>
    %add3A_116 = arith.addf %add3A_114, %slice3A_115 : vector<2048x8xf32>
    %slice3A_117 = vector.extract_strided_slice %add3A_116 {offsets = [0, 0], sizes = [2048, 4], strides = [1, 1]} : vector<2048x8xf32> to vector<2048x4xf32>
    %slice3A_118 = vector.extract_strided_slice %add3A_116 {offsets = [0, 4], sizes = [2048, 4], strides = [1, 1]} : vector<2048x8xf32> to vector<2048x4xf32>
    %add3A_119 = arith.addf %slice3A_117, %slice3A_118 : vector<2048x4xf32>
    %slice3A_120 = vector.extract_strided_slice %add3A_119 {offsets = [0, 0], sizes = [2048, 2], strides = [1, 1]} : vector<2048x4xf32> to vector<2048x2xf32>
    %slice3A_121 = vector.extract_strided_slice %add3A_119 {offsets = [0, 2], sizes = [2048, 2], strides = [1, 1]} : vector<2048x4xf32> to vector<2048x2xf32>
    %add3A_122 = arith.addf %slice3A_120, %slice3A_121 : vector<2048x2xf32>
    %slice3A_123 = vector.extract_strided_slice %add3A_122 {offsets = [0, 0], sizes = [2048, 1], strides = [1, 1]} : vector<2048x2xf32> to vector<2048x1xf32>
    %slice3A_124 = vector.extract_strided_slice %add3A_122 {offsets = [0, 1], sizes = [2048, 1], strides = [1, 1]} : vector<2048x2xf32> to vector<2048x1xf32>
    %add3A_125 = arith.addf %slice3A_123, %slice3A_124 : vector<2048x1xf32>
    %convert_element_type3A_126 = arith.truncf %add3A_100 : vector<2048x64xf32> to vector<2048x64xbf16>
    %get3A_127 = arith.constant 0 : index
    %get3A_128 = arith.constant 0 : index
    %get3A_129 = vector.load %arg8[%get3A_127, %get3A_128] : memref<64x1024xbf16, #tpu.memory_space<vmem>>, vector<64x1024xbf16>
    %dot_general3A_130 = arith.constant dense<0.000000e+00> : vector<2048x1024xf32>
    %dot_general3A_131 = tpu.matmul %convert_element_type3A_126, %get3A_129, %dot_general3A_130 {dimension_numbers = #tpu.dot_dimension_numbers<[1], [0], [0], [1], [0, 0, 1, 1], [], []>, transpose_lhs_hint = false} : vector<2048x64xbf16>, vector<64x1024xbf16>, vector<2048x1024xf32> -> vector<2048x1024xf32>
    %iota3A = tpu.iota {dimensions = array<i32: 1>} : vector<2048x128xi32>
    %slice3A_132 = vector.extract_strided_slice %dot_general3A_131 {offsets = [0, 0], sizes = [2048, 128], strides = [1, 1]} : vector<2048x1024xf32> to vector<2048x128xf32>
    %mul3A_133 = arith.constant 2.000000e+00 : f32
    %mul3A_134 = vector.broadcast %mul3A_133 : f32 to vector<2048x128xf32>
    %mul3A_135 = arith.mulf %mul3A_134, %slice3A_132 : vector<2048x128xf32>
    %sub3A_136 = vector.broadcast %add3A_125 : vector<2048x1xf32> to vector<2048x128xf32>
    %sub3A_137 = arith.subf %sub3A_136, %mul3A_135 : vector<2048x128xf32>
    %get3A_138 = arith.constant 0 : index
    %get3A_139 = arith.constant 0 : index
    %get3A_140 = vector.load %arg12[%get3A_138, %get3A_139] : memref<1x1024xf32, #tpu.memory_space<vmem>>, vector<1x128xf32>
    %add3A_141 = vector.broadcast %get3A_140 : vector<1x128xf32> to vector<2048x128xf32>
    %add3A_142 = arith.addf %sub3A_137, %add3A_141 : vector<2048x128xf32>
    %slice3A_143 = vector.extract_strided_slice %dot_general3A_131 {offsets = [0, 128], sizes = [2048, 128], strides = [1, 1]} : vector<2048x1024xf32> to vector<2048x128xf32>
    %mul3A_144 = arith.constant 2.000000e+00 : f32
    %mul3A_145 = vector.broadcast %mul3A_144 : f32 to vector<2048x128xf32>
    %mul3A_146 = arith.mulf %mul3A_145, %slice3A_143 : vector<2048x128xf32>
    %sub3A_147 = vector.broadcast %add3A_125 : vector<2048x1xf32> to vector<2048x128xf32>
    %sub3A_148 = arith.subf %sub3A_147, %mul3A_146 : vector<2048x128xf32>
    %get3A_149 = arith.constant 0 : index
    %get3A_150 = arith.constant 128 : index
    %get3A_151 = vector.load %arg12[%get3A_149, %get3A_150] : memref<1x1024xf32, #tpu.memory_space<vmem>>, vector<1x128xf32>
    %add3A_152 = vector.broadcast %get3A_151 : vector<1x128xf32> to vector<2048x128xf32>
    %add3A_153 = arith.addf %sub3A_148, %add3A_152 : vector<2048x128xf32>
    %lt3A = arith.cmpf olt, %add3A_153, %add3A_142 : vector<2048x128xf32>
    %add3A_154 = arith.constant 128 : i32
    %add3A_155 = vector.broadcast %add3A_154 : i32 to vector<2048x128xi32>
    %add3A_156 = arith.addi %iota3A, %add3A_155 : vector<2048x128xi32>
    %select_n3A = arith.select %lt3A, %add3A_156, %iota3A : vector<2048x128xi1>, vector<2048x128xi32>
    %select_n3A_157 = arith.select %lt3A, %add3A_153, %add3A_142 : vector<2048x128xi1>, vector<2048x128xf32>
    %slice3A_158 = vector.extract_strided_slice %dot_general3A_131 {offsets = [0, 256], sizes = [2048, 128], strides = [1, 1]} : vector<2048x1024xf32> to vector<2048x128xf32>
    %mul3A_159 = arith.constant 2.000000e+00 : f32
    %mul3A_160 = vector.broadcast %mul3A_159 : f32 to vector<2048x128xf32>
    %mul3A_161 = arith.mulf %mul3A_160, %slice3A_158 : vector<2048x128xf32>
    %sub3A_162 = vector.broadcast %add3A_125 : vector<2048x1xf32> to vector<2048x128xf32>
    %sub3A_163 = arith.subf %sub3A_162, %mul3A_161 : vector<2048x128xf32>
    %get3A_164 = arith.constant 0 : index
    %get3A_165 = arith.constant 256 : index
    %get3A_166 = vector.load %arg12[%get3A_164, %get3A_165] : memref<1x1024xf32, #tpu.memory_space<vmem>>, vector<1x128xf32>
    %add3A_167 = vector.broadcast %get3A_166 : vector<1x128xf32> to vector<2048x128xf32>
    %add3A_168 = arith.addf %sub3A_163, %add3A_167 : vector<2048x128xf32>
    %lt3A_169 = arith.cmpf olt, %add3A_168, %select_n3A_157 : vector<2048x128xf32>
    %add3A_170 = arith.constant 256 : i32
    %add3A_171 = vector.broadcast %add3A_170 : i32 to vector<2048x128xi32>
    %add3A_172 = arith.addi %iota3A, %add3A_171 : vector<2048x128xi32>
    %select_n3A_173 = arith.select %lt3A_169, %add3A_172, %select_n3A : vector<2048x128xi1>, vector<2048x128xi32>
    %select_n3A_174 = arith.select %lt3A_169, %add3A_168, %select_n3A_157 : vector<2048x128xi1>, vector<2048x128xf32>
    %slice3A_175 = vector.extract_strided_slice %dot_general3A_131 {offsets = [0, 384], sizes = [2048, 128], strides = [1, 1]} : vector<2048x1024xf32> to vector<2048x128xf32>
    %mul3A_176 = arith.constant 2.000000e+00 : f32
    %mul3A_177 = vector.broadcast %mul3A_176 : f32 to vector<2048x128xf32>
    %mul3A_178 = arith.mulf %mul3A_177, %slice3A_175 : vector<2048x128xf32>
    %sub3A_179 = vector.broadcast %add3A_125 : vector<2048x1xf32> to vector<2048x128xf32>
    %sub3A_180 = arith.subf %sub3A_179, %mul3A_178 : vector<2048x128xf32>
    %get3A_181 = arith.constant 0 : index
    %get3A_182 = arith.constant 384 : index
    %get3A_183 = vector.load %arg12[%get3A_181, %get3A_182] : memref<1x1024xf32, #tpu.memory_space<vmem>>, vector<1x128xf32>
    %add3A_184 = vector.broadcast %get3A_183 : vector<1x128xf32> to vector<2048x128xf32>
    %add3A_185 = arith.addf %sub3A_180, %add3A_184 : vector<2048x128xf32>
    %lt3A_186 = arith.cmpf olt, %add3A_185, %select_n3A_174 : vector<2048x128xf32>
    %add3A_187 = arith.constant 384 : i32
    %add3A_188 = vector.broadcast %add3A_187 : i32 to vector<2048x128xi32>
    %add3A_189 = arith.addi %iota3A, %add3A_188 : vector<2048x128xi32>
    %select_n3A_190 = arith.select %lt3A_186, %add3A_189, %select_n3A_173 : vector<2048x128xi1>, vector<2048x128xi32>
    %select_n3A_191 = arith.select %lt3A_186, %add3A_185, %select_n3A_174 : vector<2048x128xi1>, vector<2048x128xf32>
    %slice3A_192 = vector.extract_strided_slice %dot_general3A_131 {offsets = [0, 512], sizes = [2048, 128], strides = [1, 1]} : vector<2048x1024xf32> to vector<2048x128xf32>
    %mul3A_193 = arith.constant 2.000000e+00 : f32
    %mul3A_194 = vector.broadcast %mul3A_193 : f32 to vector<2048x128xf32>
    %mul3A_195 = arith.mulf %mul3A_194, %slice3A_192 : vector<2048x128xf32>
    %sub3A_196 = vector.broadcast %add3A_125 : vector<2048x1xf32> to vector<2048x128xf32>
    %sub3A_197 = arith.subf %sub3A_196, %mul3A_195 : vector<2048x128xf32>
    %get3A_198 = arith.constant 0 : index
    %get3A_199 = arith.constant 512 : index
    %get3A_200 = vector.load %arg12[%get3A_198, %get3A_199] : memref<1x1024xf32, #tpu.memory_space<vmem>>, vector<1x128xf32>
    %add3A_201 = vector.broadcast %get3A_200 : vector<1x128xf32> to vector<2048x128xf32>
    %add3A_202 = arith.addf %sub3A_197, %add3A_201 : vector<2048x128xf32>
    %lt3A_203 = arith.cmpf olt, %add3A_202, %select_n3A_191 : vector<2048x128xf32>
    %add3A_204 = arith.constant 512 : i32
    %add3A_205 = vector.broadcast %add3A_204 : i32 to vector<2048x128xi32>
    %add3A_206 = arith.addi %iota3A, %add3A_205 : vector<2048x128xi32>
    %select_n3A_207 = arith.select %lt3A_203, %add3A_206, %select_n3A_190 : vector<2048x128xi1>, vector<2048x128xi32>
    %select_n3A_208 = arith.select %lt3A_203, %add3A_202, %select_n3A_191 : vector<2048x128xi1>, vector<2048x128xf32>
    %slice3A_209 = vector.extract_strided_slice %dot_general3A_131 {offsets = [0, 640], sizes = [2048, 128], strides = [1, 1]} : vector<2048x1024xf32> to vector<2048x128xf32>
    %mul3A_210 = arith.constant 2.000000e+00 : f32
    %mul3A_211 = vector.broadcast %mul3A_210 : f32 to vector<2048x128xf32>
    %mul3A_212 = arith.mulf %mul3A_211, %slice3A_209 : vector<2048x128xf32>
    %sub3A_213 = vector.broadcast %add3A_125 : vector<2048x1xf32> to vector<2048x128xf32>
    %sub3A_214 = arith.subf %sub3A_213, %mul3A_212 : vector<2048x128xf32>
    %get3A_215 = arith.constant 0 : index
    %get3A_216 = arith.constant 640 : index
    %get3A_217 = vector.load %arg12[%get3A_215, %get3A_216] : memref<1x1024xf32, #tpu.memory_space<vmem>>, vector<1x128xf32>
    %add3A_218 = vector.broadcast %get3A_217 : vector<1x128xf32> to vector<2048x128xf32>
    %add3A_219 = arith.addf %sub3A_214, %add3A_218 : vector<2048x128xf32>
    %lt3A_220 = arith.cmpf olt, %add3A_219, %select_n3A_208 : vector<2048x128xf32>
    %add3A_221 = arith.constant 640 : i32
    %add3A_222 = vector.broadcast %add3A_221 : i32 to vector<2048x128xi32>
    %add3A_223 = arith.addi %iota3A, %add3A_222 : vector<2048x128xi32>
    %select_n3A_224 = arith.select %lt3A_220, %add3A_223, %select_n3A_207 : vector<2048x128xi1>, vector<2048x128xi32>
    %select_n3A_225 = arith.select %lt3A_220, %add3A_219, %select_n3A_208 : vector<2048x128xi1>, vector<2048x128xf32>
    %slice3A_226 = vector.extract_strided_slice %dot_general3A_131 {offsets = [0, 768], sizes = [2048, 128], strides = [1, 1]} : vector<2048x1024xf32> to vector<2048x128xf32>
    %mul3A_227 = arith.constant 2.000000e+00 : f32
    %mul3A_228 = vector.broadcast %mul3A_227 : f32 to vector<2048x128xf32>
    %mul3A_229 = arith.mulf %mul3A_228, %slice3A_226 : vector<2048x128xf32>
    %sub3A_230 = vector.broadcast %add3A_125 : vector<2048x1xf32> to vector<2048x128xf32>
    %sub3A_231 = arith.subf %sub3A_230, %mul3A_229 : vector<2048x128xf32>
    %get3A_232 = arith.constant 0 : index
    %get3A_233 = arith.constant 768 : index
    %get3A_234 = vector.load %arg12[%get3A_232, %get3A_233] : memref<1x1024xf32, #tpu.memory_space<vmem>>, vector<1x128xf32>
    %add3A_235 = vector.broadcast %get3A_234 : vector<1x128xf32> to vector<2048x128xf32>
    %add3A_236 = arith.addf %sub3A_231, %add3A_235 : vector<2048x128xf32>
    %lt3A_237 = arith.cmpf olt, %add3A_236, %select_n3A_225 : vector<2048x128xf32>
    %add3A_238 = arith.constant 768 : i32
    %add3A_239 = vector.broadcast %add3A_238 : i32 to vector<2048x128xi32>
    %add3A_240 = arith.addi %iota3A, %add3A_239 : vector<2048x128xi32>
    %select_n3A_241 = arith.select %lt3A_237, %add3A_240, %select_n3A_224 : vector<2048x128xi1>, vector<2048x128xi32>
    %select_n3A_242 = arith.select %lt3A_237, %add3A_236, %select_n3A_225 : vector<2048x128xi1>, vector<2048x128xf32>
    %slice3A_243 = vector.extract_strided_slice %dot_general3A_131 {offsets = [0, 896], sizes = [2048, 128], strides = [1, 1]} : vector<2048x1024xf32> to vector<2048x128xf32>
    %mul3A_244 = arith.constant 2.000000e+00 : f32
    %mul3A_245 = vector.broadcast %mul3A_244 : f32 to vector<2048x128xf32>
    %mul3A_246 = arith.mulf %mul3A_245, %slice3A_243 : vector<2048x128xf32>
    %sub3A_247 = vector.broadcast %add3A_125 : vector<2048x1xf32> to vector<2048x128xf32>
    %sub3A_248 = arith.subf %sub3A_247, %mul3A_246 : vector<2048x128xf32>
    %get3A_249 = arith.constant 0 : index
    %get3A_250 = arith.constant 896 : index
    %get3A_251 = vector.load %arg12[%get3A_249, %get3A_250] : memref<1x1024xf32, #tpu.memory_space<vmem>>, vector<1x128xf32>
    %add3A_252 = vector.broadcast %get3A_251 : vector<1x128xf32> to vector<2048x128xf32>
    %add3A_253 = arith.addf %sub3A_248, %add3A_252 : vector<2048x128xf32>
    %lt3A_254 = arith.cmpf olt, %add3A_253, %select_n3A_242 : vector<2048x128xf32>
    %add3A_255 = arith.constant 896 : i32
    %add3A_256 = vector.broadcast %add3A_255 : i32 to vector<2048x128xi32>
    %add3A_257 = arith.addi %iota3A, %add3A_256 : vector<2048x128xi32>
    %select_n3A_258 = arith.select %lt3A_254, %add3A_257, %select_n3A_241 : vector<2048x128xi1>, vector<2048x128xi32>
    %select_n3A_259 = arith.select %lt3A_254, %add3A_253, %select_n3A_242 : vector<2048x128xi1>, vector<2048x128xf32>
    %reduce_min3A = arith.constant dense<0x7F800000> : vector<2048xf32>
    %reduce_min3A_260 = vector.multi_reduction <minimumf>, %select_n3A_259, %reduce_min3A [1] : vector<2048x128xf32> to vector<2048xf32>
    %broadcast_in_dim3A = vector.shape_cast %reduce_min3A_260 : vector<2048xf32> to vector<2048x1xf32>
    %eq3A_261 = vector.broadcast %broadcast_in_dim3A : vector<2048x1xf32> to vector<2048x128xf32>
    %eq3A_262 = arith.cmpf oeq, %select_n3A_259, %eq3A_261 : vector<2048x128xf32>
    %jit3A = arith.constant 1024 : i32
    %broadcast_in_dim3A_263 = vector.broadcast %jit3A : i32 to vector<2048x128xi32>
    %select_n3A_264 = arith.select %eq3A_262, %select_n3A_258, %broadcast_in_dim3A_263 : vector<2048x128xi1>, vector<2048x128xi32>
    %reduce_min3A_265 = arith.constant dense<2147483647> : vector<2048xi32>
    %reduce_min3A_266 = vector.multi_reduction <minsi>, %select_n3A_264, %reduce_min3A_265 [1] : vector<2048x128xi32> to vector<2048xi32>
    %broadcast_in_dim3A_267 = vector.shape_cast %reduce_min3A_266 : vector<2048xi32> to vector<2048x1xi32>
    %swap3A = arith.constant 0 : index
    %swap3A_268 = arith.constant 0 : index
    %swap3A_269 = vector.load %arg10[%swap3A, %swap3A_268] : memref<2048x1xi32, #tpu.memory_space<vmem>>, vector<2048x1xi32>
    tpu.vector_store %arg10[%swap3A, %swap3A_268], %broadcast_in_dim3A_267 {strides = array<i32>} : memref<2048x1xi32, #tpu.memory_space<vmem>>, vector<2048x1xi32>,
    %reduce_sum3A = vector.shape_cast %reduce_min3A_260 : vector<2048xf32> to vector<1x2048xf32>
    %reduce_sum3A_270 = arith.constant dense<0.000000e+00> : vector<1xf32>
    %reduce_sum3A_271 = vector.multi_reduction <add>, %reduce_sum3A, %reduce_sum3A_270 [1] : vector<1x2048xf32> to vector<1xf32>
    %reduce_sum3A_272 = vector.shape_cast %reduce_sum3A_271 : vector<1xf32> to vector<1x1xf32>
    %reduce_sum3A_273 = vector.extract %reduce_sum3A_272[0, 0] : f32 from vector<1x1xf32>
    %reshape3A = vector.broadcast %reduce_sum3A_273 : f32 to vector<1x1xf32>
    %eq3A_274 = arith.constant 0 : i32
    %eq3A_275 = arith.cmpi eq, %arg0, %eq3A_274 : i32
    %convert_element_type3A_276 = arith.extui %eq3A_275 : i1 to i32
    %cond3A_277 = arith.constant 0 : i32
    %cond3A_278 = arith.cmpi ne, %convert_element_type3A_276, %cond3A_277 : i32
    scf.if %cond3A_278 {
      %broadcast_in_dim3A_286 = arith.constant 0.000000e+00 : f32
      %broadcast_in_dim3A_287 = vector.broadcast %broadcast_in_dim3A_286 : f32 to vector<1x1xf32>
      %swap3A_288 = arith.constant 0 : index
      %swap3A_289 = arith.constant 0 : index
      %swap3A_290 = vector.load %arg11[%swap3A_288, %swap3A_289] : memref<1x1xf32, #tpu.memory_space<vmem>>, vector<1x1xf32>
      tpu.vector_store %arg11[%swap3A_288, %swap3A_289], %broadcast_in_dim3A_287 {strides = array<i32>} : memref<1x1xf32, #tpu.memory_space<vmem>>, vector<1x1xf32>,
    } else {
    }
    %get3A_279 = arith.constant 0 : index
    %get3A_280 = arith.constant 0 : index
    %get3A_281 = vector.load %arg11[%get3A_279, %get3A_280] : memref<1x1xf32, #tpu.memory_space<vmem>>, vector<1x1xf32>
    %add3A_282 = arith.addf %get3A_281, %reshape3A : vector<1x1xf32>
    %swap3A_283 = arith.constant 0 : index
    %swap3A_284 = arith.constant 0 : index
    %swap3A_285 = vector.load %arg11[%swap3A_283, %swap3A_284] : memref<1x1xf32, #tpu.memory_space<vmem>>, vector<1x1xf32>
    tpu.vector_store %arg11[%swap3A_283, %swap3A_284], %add3A_282 {strides = array<i32>} : memref<1x1xf32, #tpu.memory_space<vmem>>, vector<1x1xf32>,
    return
  }
  func.func @transform_0(%arg0: i32) -> (i32, i32) {
    %c0_i32 = arith.constant 0 : i32
    %c0_i32_0 = arith.constant 0 : i32
    return %arg0, %c0_i32 : i32, i32
  }
  func.func @transform_1(%arg0: i32) -> (i32, i32) {
    %c0_i32 = arith.constant 0 : i32
    %c0_i32_0 = arith.constant 0 : i32
    %c0_i32_1 = arith.constant 0 : i32
    return %c0_i32, %c0_i32_0 : i32, i32
  }
  func.func @transform_2(%arg0: i32) -> (i32, i32) {
    %c0_i32 = arith.constant 0 : i32
    %c0_i32_0 = arith.constant 0 : i32
    %c0_i32_1 = arith.constant 0 : i32
    return %c0_i32, %c0_i32_0 : i32, i32
  }
  func.func @transform_3(%arg0: i32) -> (i32, i32) {
    %c0_i32 = arith.constant 0 : i32
    %c0_i32_0 = arith.constant 0 : i32
    %c0_i32_1 = arith.constant 0 : i32
    return %c0_i32, %c0_i32_0 : i32, i32
  }
  func.func @transform_4(%arg0: i32) -> (i32, i32) {
    %c0_i32 = arith.constant 0 : i32
    %c0_i32_0 = arith.constant 0 : i32
    %c0_i32_1 = arith.constant 0 : i32
    return %c0_i32, %c0_i32_0 : i32, i32
  }
  func.func @transform_5(%arg0: i32) -> (i32, i32) {
    %c0_i32 = arith.constant 0 : i32
    %c0_i32_0 = arith.constant 0 : i32
    %c0_i32_1 = arith.constant 0 : i32
    return %c0_i32, %c0_i32_0 : i32, i32
  }
  func.func @transform_6(%arg0: i32) -> (i32, i32) {
    %c0_i32 = arith.constant 0 : i32
    %c0_i32_0 = arith.constant 0 : i32
    %c0_i32_1 = arith.constant 0 : i32
    return %c0_i32, %c0_i32_0 : i32, i32
  }
  func.func @transform_7(%arg0: i32) -> (i32, i32) {
    %c0_i32 = arith.constant 0 : i32
    %c0_i32_0 = arith.constant 0 : i32
    %c0_i32_1 = arith.constant 0 : i32
    return %c0_i32, %c0_i32_0 : i32, i32
  }
  func.func @transform_8(%arg0: i32) -> (i32, i32) {
    %c0_i32 = arith.constant 0 : i32
    %c0_i32_0 = arith.constant 0 : i32
    %c0_i32_1 = arith.constant 0 : i32
    return %c0_i32, %c0_i32_0 : i32, i32
  }
  func.func @transform_9(%arg0: i32) -> (i32, i32) {
    %c0_i32 = arith.constant 0 : i32
    %c0_i32_0 = arith.constant 0 : i32
    return %arg0, %c0_i32 : i32, i32
  }
  func.func @transform_10(%arg0: i32) -> (i32, i32) {
    %c0_i32 = arith.constant 0 : i32
    %c0_i32_0 = arith.constant 0 : i32
    %c0_i32_1 = arith.constant 0 : i32
    return %c0_i32, %c0_i32_0 : i32, i32
  }
}

</mosaic_0001>

<sc_bundles>
// kernel: kernel.4.cloned.1.call-start
scs
__scs_entry_jumppad:
0x0: {  	(pc) =	sbr.rel $0x88, $3  }
0x1: {  	(tag) =	ssettag $0x0;
	lr =	simm.s32 $0x1  }
0x2: {  	[smem:$0x3F99] =	sst lr;
	_ =	strace $0xD0000000  }
0x3: {  	_ = 	snop  }
0x4: {  	_ = 	snop  }
0x5: {  	_ = 	snop  }
0x6: {  	_ = 	snop  }
0x7: {  	_ = 	snop  }
__scs_overlays_trampoline_lowered:
0x8: {  	[smem:$0x3FA8] =	sst s0  }
0x9: {  	[smem:$0x3FA9] =	sst s1  }
0xa: {  	[smem:$0x3FAA] =	sst s2  }
0xb: {  	[smem:$0x3FAB] =	sst s3  }
0xc: {  	[smem:$0x3FAC] =	sst s4  }
0xd: {  	[smem:$0x3FAD] =	sst s5  }
0xe: {  	[smem:$0x3FAE] =	sst s6  }
0xf: {  	[smem:$0x3FAF] =	sst s7  }
0x10: {  	[smem:$0x3FB0] =	sst s8  }
0x11: {  	[smem:$0x3FB1] =	sst s9;
	s0 =	simm.s32 @!p0 $0x0  }
0x12: {  	s1 =	sld [smem:$0x3F97];
	s0 =	simm.s32 @p0 $0x1  }
0x13: {  	[smem:$0x3FB2] =	sst s0;
	s0 =	simm.s32 @!p1 $0x0  }
0x14: {  	s2 =	sld [smem:$0x3F96];
	s0 =	simm.s32 @p1 $0x1  }
0x15: {  	[smem:$0x3FB3] =	sst s0;
	s0 =	simm.s32 @!p2 $0x0  }
0x16: {  	s3 =	sld [smem:$0x3FDB];
	s0 =	simm.s32 @p2 $0x1  }
0x17: {  	s4 =	simm.s32 $0x1BF5;
	[smem:$0x3FB5] =	sst s0  }
0x18: {  	s0 =	sld [smem:$0x3F98];
	_ =	swait.ge [sflag:s4], $0x0  }
0x19: {  	s7 =	sld [smem:$0x3F99]  }
0x1a: {  	s8 =	sadd.s32 $0xFFFFE003, lr  }
0x1b: {  	s9 =	sadd.s32 $0xFFFFFEF7, lr;
	s5 =	simm.s32 $0xFFFFFFFF;
	p2 =	slt.u32 s8, $0xFFFFF086  }
0x1c: {  	p1 =	slt.u32 s9, $0xF7A;
	s5 =	simm.s32 @!p2 $0x0  }
0x1d: {  	s5 =	simm.s32 @p1 $0x1;
	p0 =	seq.s32 s7, s2  }
0x1e: {  	s7 =	smul.u32 @!p0 $0xF7A, s2;
	p2 =	seq.s32 @!p0 s5, $0x0  }
0x1f: {  	s9 =	smul.u32 $0xF7A, s1;
	s8 =	simm.s32 @!p0 $0x1BF5;
	p2 =	por !p2, p0  }
0x20: {  	[sflag:s8] =	ssyncset.s32 @!p0 $0xFFFFF086;
	s6 =	sadd.s32 @!p0 s3, s7;
	s7 =	simm.s32 @!p0 $0x108  }
0x21: {  	s3 =	sadd.s32 s3, s9;
	s6 =	sadd.s32 @!p0 $0x88, s6;
	s7 =	simm.s32 @p2 $0x1082  }
0x22: {  	[simem:s7], [sflag:s8] =	dma.local @!p0 [hbm:s6], $0xF7A  }
0x23: {  	s9 =	sor.u32 $0xD0000000, s2;
	s6 =	simm.s32 $0x108;
	_ =	swait.ge @!p0 [sflag:s8], $0x0  }
0x24: {  	s3 =	sadd.s32 $0x88, s3;
	s6 =	simm.s32 @!p1 $0x1082;
	[sflag:s4] =	ssyncset.s32 $0xFFFFF086  }
0x25: {  	[simem:s6], [sflag:s4] =	dma.local [hbm:s3], $0xF7A  }
0x26: {  	[smem:$0x3F99] =	sst s1;
	(tag) =	ssettag s2;
	_ =	strace s9  }
0x27: {  	s1 =	sld [smem:$0x3FA9]  }
0x28: {  	s2 =	sld [smem:$0x3FAA]  }
0x29: {  	s4 =	sld [smem:$0x3FAC]  }
0x2a: {  	p0 =	seq.s32 s5, $0x0;
	s5 =	sld [smem:$0x3FAD]  }
0x2b: {  	s6 =	sld [smem:$0x3FAE]  }
0x2c: {  	s7 =	sld [smem:$0x3FAF]  }
0x2d: {  	s3 =	simm.s32 $0x108;
	s8 =	sld [smem:$0x3FB0]  }
0x2e: {  	s3 =	simm.s32 @!p0 $0x1082;
	s9 =	sld [smem:$0x3FB1]  }
0x2f: {  	lr =	sadd.s32 s0, s3;
	s0 =	sld [smem:$0x3FA8]  }
0x30: {  	s3 =	sld [smem:$0x3FAB]  }
0x31: {  	[smem:$0x3FB4] =	sst s10  }
0x32: {  	s10 =	sld [smem:$0x3FB2];
	_ =	sdelay $0x3  }
0x33: {  	p0 =	seq.s32 s10, $0x1;
	s10 =	sld [smem:$0x3FB4];
	_ =	sdelay $0x3  }
0x34: {  	[smem:$0x3FB4] =	sst s10  }
0x35: {  	s10 =	sld [smem:$0x3FB3];
	_ =	sdelay $0x3  }
0x36: {  	p1 =	seq.s32 s10, $0x1;
	s10 =	sld [smem:$0x3FB4];
	_ =	sdelay $0x3  }
0x37: {  	[smem:$0x3FB4] =	sst s10  }
0x38: {  	s10 =	sld [smem:$0x3FB5]  }
0x39: {  	_ = 	snop;
	(pc) =	sbr.ind lr, $3  }
0x3a: {  	_ = 	snop  }
0x3b: {  	_ = 	snop  }
0x3c: {  	p2 =	seq.s32 s10, $0x1;
	s10 =	sld [smem:$0x3FB4]  }
0x3d: {  	_ =	shalt  }
0x3e: {  	_ =	shalt  }
0x3f: {  	_ =	shalt  }
0x40: {  	_ =	shalt  }
0x41: {  	_ =	shalt  }
0x42: {  	_ =	shalt  }
0x43: {  	_ =	shalt  }
0x44: {  	_ =	shalt  }
0x45: {  	_ =	shalt  }
0x46: {  	_ =	shalt  }
0x47: {  	_ =	shalt  }
0x48: {  	_ =	shalt  }
0x49: {  	_ =	shalt  }
0x4a: {  	_ =	shalt  }
0x4b: {  	_ =	shalt  }
0x4c: {  	_ =	shalt  }
0x4d: {  	_ =	shalt  }
0x4e: {  	_ =	shalt  }
0x4f: {  	_ =	shalt  }
0x50: {  	_ =	shalt  }
0x51: {  	_ =	shalt  }
0x52: {  	_ =	shalt  }
0x53: {  	_ =	shalt  }
0x54: {  	_ =	shalt  }
0x55: {  	_ =	shalt  }
0x56: {  	_ =	shalt  }
0x57: {  	_ =	shalt  }
0x58: {  	_ =	shalt  }
0x59: {  	_ =	shalt  }
0x5a: {  	_ =	shalt  }
0x5b: {  	_ =	shalt  }
0x5c: {  	_ =	shalt  }
0x5d: {  	_ =	shalt  }
0x5e: {  	_ =	shalt  }
0x5f: {  	_ =	shalt  }
0x60: {  	_ =	shalt  }
0x61: {  	_ =	shalt  }
0x62: {  	_ =	shalt  }
0x63: {  	_ =	shalt  }
0x64: {  	_ =	shalt  }
0x65: {  	_ =	shalt  }
0x66: {  	_ =	shalt  }
0x67: {  	_ =	shalt  }
0x68: {  	_ =	shalt  }
0x69: {  	_ =	shalt  }
0x6a: {  	_ =	shalt  }
0x6b: {  	_ =	shalt  }
0x6c: {  	_ =	shalt  }
0x6d: {  	_ =	shalt  }
0x6e: {  	_ =	shalt  }
0x6f: {  	_ =	shalt  }
0x70: {  	_ =	shalt  }
0x71: {  	_ =	shalt  }
0x72: {  	_ =	shalt  }
0x73: {  	_ =	shalt  }
0x74: {  	_ =	shalt  }
0x75: {  	_ =	shalt  }
0x76: {  	_ =	shalt  }
0x77: {  	_ =	shalt  }
0x78: {  	_ =	shalt  }
0x79: {  	_ =	shalt  }
0x7a: {  	_ =	shalt  }
0x7b: {  	_ =	shalt  }
0x7c: {  	_ =	shalt  }
0x7d: {  	_ =	shalt  }
0x7e: {  	_ =	shalt  }
0x7f: {  	_ =	shalt  }
0x80: {  	_ =	shalt  }
0x81: {  	_ =	shalt  }
0x82: {  	_ =	shalt  }
0x83: {  	_ =	shalt  }
0x84: {  	_ =	shalt  }
0x85: {  	_ =	shalt  }
0x86: {  	_ =	shalt  }
0x87: {  	_ =	shalt  }
.Lfunc_end0:
.L_simem_size_0:
called_computation_lowered:
.L_overlay_start_0:
0x88: {  	s2 =	sld [smem:$0x3FD9]  }
0x89: {  	s3 =	sld [smem:$0x3FFE];
	_ =	sdelay $0x1  }
0x8a: {  	s1 =	srdreg.scid  }
0x8b: {  	s0 =	sand.u32 $0x1, s1  }
0x8c: {  	s14 =	sshll.u32 s0, $0xA;
	s2 =	sadd.s32 s3, s2  }
0x8d: {  	s2 =	sadd.s32 s2, s14  }
0x8e: {  	[smem:$0x3FC0] =	sst s2  }
0x8f: {  	_ = 	snop  }
0x90: {  	s2 =	sld [smem:$0x3FD0];
	_ =	sdelay $0x2  }
0x91: {  	s15 =	simm.s32 $0xA;
	s4 =	simm.s32 $0x10  }
0x92: {  	[smem:s4], [sflag:s15] =	dma.local [hbm:s2], $0x1  }
0x93: {  	_ =	swait.eq [sflag:s15], $0x1  }
0x94: {  	[sflag:s15] =	ssyncset.done $0x0  }
0x95: {  	[sflag:s15] =	ssyncadd.s32 $0xFFFFFFFF  }
0x96: {  	s16 =	sld [smem:$0x10];
	(tm) =	ssettm $0x1  }
0x97: {  	s17 =	sld [smem:$0x3FFB];
	_ =	sdelay $0x3  }
0x98: {  	_ =	strace s17  }
0x99: {  	s3 =	sld [smem:$0x3FFC];
	_ =	sdelay $0x3  }
0x9a: {  	_ =	strace s3  }
0x9b: {  	s3 =	sld [smem:$0x3FFD];
	_ =	sdelay $0x3  }
0x9c: {  	_ =	strace s3  }
0x9d: {  	_ =	strace $0x8FFFFFFF  }
0x9e: {  	s18 =	sld [smem:$0x3FDB];
	_ =	sdelay $0x1  }
0x9f: {  	s19 =	simm.s32 $_scs_section_size  }
0xa0: {  	s5 =	simm.s32 $_size__tile_overlayer_lowered;
	s6 =	simm.s32 $_tile_overlayer_lowered  }
0xa1: {  	s22 =	simm.s32 $0x1BFF;
	s21 =	sshll.u32 s6, $0x1;
	s3 =	sadd.s32 s19, s18  }
0xa2: {  	s7 =	simm.s32 $0x0;
	s20 =	sshll.u32 s5, $0x1;
	s5 =	sadd.s32 s21, s3  }
0xa3: {  	[timem:s7], [sflag:s22] =	dma.local [hbm:s5], s20  }
0xa4: {  	_ =	swait.ge [sflag:s22], s20  }
0xa5: {  	s4 =	ssub.s32 $0x0, s20;
	[sflag:s22] =	ssyncset.done $0x0  }
0xa6: {  	[sflag:s22] =	ssyncadd.s32 s4;
	_ =	sdelay $0x1  }
0xa7: {  	s23 =	simm.s32 $0x1B8B  }
0xa8: {  	_ =	swait.ge [sflag:s23], $0x1  }
0xa9: {  	[sflag:s23] =	ssyncset.done $0x0  }
0xaa: {  	s25 =	simm.s32 $0x1B8E;
	s24 =	sld [smem:$0x3FFE];
	[sflag:s23] =	ssyncadd.s32 $0xFFFFFFFF  }
0xab: {  	s26 =	simm.s32 $execute0_lowered;
	[smem:$0x3FD2] =	sst s25  }
0xac: {  	s5 =	sshll.u32 s26, $0x1;
	_ =	strace $0x80000046;
	[dreg:$0x1] =	wrdreg $0xFFFFFFFF  }
0xad: {  	s28 =	simm.s32 $_size_execute0_lowered;
	s3 =	sadd.s32 s3, s5;
	[dreg:$0x0] =	wrdreg $0x0  }
0xae: {  	s5 =	sshll.u32 s28, $0x1;
	[dreg:$0x2] =	wrdreg s3  }
0xaf: {  	[dreg:$0x3] =	wrdreg s5  }
0xb0: {  	[dreg:$0x4] =	wrdreg $0xC0  }
0xb1: {  	_ =	task [dreg:s7], $0x5FFFF  }
0xb2: {  	[dreg:$0x1] =	wrdreg $0xFFFFFFFF  }
0xb3: {  	[dreg:$0x0] =	wrdreg $0x60  }
0xb4: {  	[dreg:$0x2] =	wrdreg s16  }
0xb5: {  	[dreg:$0x3] =	wrdreg s24  }
0xb6: {  	[dreg:$0x4] =	wrdreg $0x188000  }
0xb7: {  	[dreg:$0x5] =	wrdreg $0x9  }
0xb8: {  	_ =	task.clear_ibuf [dreg:s7], $0x6FFFF;
	_ =	strace $0x90000046  }
0xb9: {  	s29 =	simm.s32 $0x9;
	_ =	strace $0x80000048  }
0xba: {  	_ =	swait.ge [sflag:s29], $0x1  }
0xbb: {  	[sflag:s29] =	ssyncadd.s32 $0xFFFFFFFF  }
0xbc: {  	_ =	strace $0x90000048  }
0xbd: {  	_ =	sfence  }
0xbe: {  	s30 =	sld [smem:$0x0];
	_ =	sdelay $0x2  }
0xbf: {  	s31 =	sshll.u32 s1, $0xD;
	s1 =	sshrl.u32 s1, $0x2  }
0xc0: {  	s3 =	sand.u32 $0x4000, s31;
	s1 =	sadd.s32 s1, s30  }
0xc1: {  	s0 =	sor.u32 s3, s0;
	s1 =	sshll.u32 s1, $0x11  }
0xc2: {  	s0 =	sor.u32 s1, s0  }
0xc3: {  	s0 =	sadd.s32 $0x8F2B, s0  }
0xc4: {  	[sflag:s0] =	ssyncadd.remote.s32 $0x1  }
0xc5: {  	_ =	sfence.sel $0xFFFF  }
0xc6: {  	[dreg:$0x0] =	wrdreg $0xFFFFFFFF;
	(pc) =	sbr.abs _section_cstart, $3  }
0xc7: {  	[dreg:$0x1] =	wrdreg $0xFFFFFFFF  }
0xc8: {  	_ =	task.clear_ibuf [dreg:s7], $0x2FFFF;
	_ =	strace $0x9FFFFFFF  }
0xc9: {  	(tm) =	ssettm $0x7FFFFFFF  }
tec
execute0_lowered:
.L_overlay_start_1:
0x0: {  	(tag) =	ssettag $0x1  }
0x1: {  	s1 =	srdreg.scid  }
0x2: {  	s0 =	rddreg [dreg:$0x0];
	s3 =	stileid.u32;
	s31 =	sand.u32 $0x1, s1  }
0x3: {  	s4 =	rddreg [dreg:$0x1];
	s26 =	sshll.u32 s3, $0xC;
	s2 =	sshll.u32 s31, $0xB  }
0x4: {  	[dreg:$0x4] =	wrdreg s0;
	s5 =	sor.u32 s2, s26  }
0x5: {  	s1 =	rddreg [dreg:$0x2];
	s6 =	sshrl.u32 s5, $0x3  }
0x6: {  	p0 =	sne.s32 s3, $0x0;
	s2 =	simm.s32 $0x0;
	s6 =	sadd.s32 s6, s4  }
0x7: {  	[smem:$0x7FF] =	sst s2;
	s5 =	sshll.u32 s5, $0x4;
	s6 =	sadd.s32 $0xE00, s6  }
0x8: {  	_ =	strace $0x80000047;
	s30 =	sadd.s32 s5, s4;
	[dreg:$0x5] =	wrdreg s6  }
0x9: {  	s3 =	sshrl.u32 @!p0 s1, $0x3;
	s4 =	sadd.s32 $0x200E00, s30;
	s6 =	rddreg [dreg:$0x4]  }
0xa: {  	s5 =	simm.s32 @!p0 $0x7;
	[dreg:$0x6] =	wrdreg s4;
	s4 =	simm.s32 @!p0 $0x1C07  }
0xb: {  	[spmem:s3], [sflag:s4] =	dma.local @!p0 [hbm:s6], $0x4000  }
0xc: {  	_ =	swait.ge @!p0 [sflag:s5], $0x4000  }
0xd: {  	[sflag:s5] =	ssyncset.done @!p0 $0x0  }
0xe: {  	s6 =	simm.s32 $0x7;
	s7 =	rddreg [dreg:$0x5];
	[sflag:s5] =	ssyncadd.s32 @!p0 $0xFFFFC000  }
0xf: {  	[tilespmem:s2], [sflag:$0x7] =	stream.linear.gather [hbm4b:s7+s2], $0x800, $0x38;
	[tilespmem:$0x1A800] =	vst v63  }
0x10: {  	_ =	swait.ge [sflag:s6], $0x800  }
0x11: {  	[sflag:s6] =	ssyncset.done $0x0  }
0x12: {  	[sflag:s6] =	ssyncadd.s32 $0xFFFFF800  }
0x13: {  	s8 =	simm.s32 $0x800;
	s7 =	simm.s32 $0x100;
	[bflag:$0x0] =	sbarrier.arrive $0xFFFF  }
0x14: {  	[tilespmem:s8], [sflag:$0x1] =	stream.indirect.gather [spmem:s1], $0x80, s2, s7, $0xb8;
	[tilespmem:$0x1A800] =	vst v63  }
0x15: {  	s9 =	simm.s32 $0x8800  }
0x16: {  	[tilespmem:s9], [sflag:$0x2] =	stream.indirect.gather [spmem:s1], $0x80, s7, s7, $0xb8;
	[tilespmem:$0x1A800] =	vst v63  }
0x17: {  	s10 =	simm.s32 $0x200;
	s11 =	simm.s32 $0x10800;
	s12 =	simm.s32 $0x1  }
0x18: {  	[tilespmem:s11], [sflag:$0x3] =	stream.indirect.gather [spmem:s1], $0x80, s10, s7, $0xb8;
	[tilespmem:$0x1A800] =	vst v63  }
0x19: {  	_ =	swait.ge [sflag:s12], $0x8000  }
0x1a: {  	[sflag:s12] =	ssyncset.done $0x0  }
0x1b: {  	s13 =	simm.s32 $0x4;
	s14 =	rddreg [dreg:$0x6];
	[sflag:s12] =	ssyncadd.s32 $0xFFFF8000  }
0x1c: {  	[hbm4b:s14+s2] =	stream.linear.scatter [tilespmem:s8], [sflag:$0x4], $0x8000, $0x38;
	[tilespmem:$0x1A800] =	vst v63  }
0x1d: {  	_ =	swait.ge [sflag:s13], $0x8000  }
0x1e: {  	[sflag:s13] =	ssyncset.done $0x0  }
0x1f: {  	s15 =	simm.s32 $0x2;
	s14 =	simm.s32 $0x300;
	[sflag:s13] =	ssyncadd.s32 $0xFFFF8000  }
0x20: {  	[tilespmem:s8], [sflag:$0x1] =	stream.indirect.gather [spmem:s1], $0x80, s14, s7, $0xb8;
	[tilespmem:$0x1A800] =	vst v63  }
0x21: {  	_ =	swait.ge [sflag:s15], $0x8000  }
0x22: {  	[sflag:s15] =	ssyncset.done $0x0  }
0x23: {  	s16 =	simm.s32 $0x5;
	s17 =	sadd.s32 $0x201E00, s30;
	[sflag:s15] =	ssyncadd.s32 $0xFFFF8000  }
0x24: {  	[hbm4b:s17+s2] =	stream.linear.scatter [tilespmem:s9], [sflag:$0x5], $0x8000, $0x38;
	[tilespmem:$0x1A800] =	vst v63  }
0x25: {  	_ =	swait.ge [sflag:s16], $0x8000  }
0x26: {  	[sflag:s16] =	ssyncset.done $0x0  }
0x27: {  	s18 =	simm.s32 $0x400;
	s19 =	simm.s32 $0x3;
	[sflag:s16] =	ssyncadd.s32 $0xFFFF8000  }
0x28: {  	[tilespmem:s9], [sflag:$0x2] =	stream.indirect.gather [spmem:s1], $0x80, s18, s7, $0xb8;
	[tilespmem:$0x1A800] =	vst v63  }
0x29: {  	_ =	swait.ge [sflag:s19], $0x8000  }
0x2a: {  	[sflag:s19] =	ssyncset.done $0x0  }
0x2b: {  	s21 =	simm.s32 $0x6;
	s20 =	sadd.s32 $0x202E00, s30;
	[sflag:s19] =	ssyncadd.s32 $0xFFFF8000  }
0x2c: {  	[hbm4b:s20+s2] =	stream.linear.scatter [tilespmem:s11], [sflag:$0x6], $0x8000, $0x38;
	[tilespmem:$0x1A800] =	vst v63  }
0x2d: {  	_ =	swait.ge [sflag:s21], $0x8000  }
0x2e: {  	[sflag:s21] =	ssyncset.done $0x0  }
0x2f: {  	s22 =	simm.s32 $0x500;
	[sflag:s21] =	ssyncadd.s32 $0xFFFF8000  }
0x30: {  	[tilespmem:s11], [sflag:$0x3] =	stream.indirect.gather [spmem:s1], $0x80, s22, s7, $0xb8;
	[tilespmem:$0x1A800] =	vst v63  }
0x31: {  	_ =	swait.ge [sflag:s12], $0x8000  }
0x32: {  	[sflag:s12] =	ssyncset.done $0x0  }
0x33: {  	s23 =	sadd.s32 $0x203E00, s30;
	[sflag:s12] =	ssyncadd.s32 $0xFFFF8000  }
0x34: {  	[hbm4b:s23+s2] =	stream.linear.scatter [tilespmem:s8], [sflag:$0x4], $0x8000, $0x38;
	[tilespmem:$0x1A800] =	vst v63  }
0x35: {  	_ =	swait.ge [sflag:s13], $0x8000  }
0x36: {  	[sflag:s13] =	ssyncset.done $0x0  }
0x37: {  	s24 =	simm.s32 $0x600;
	[sflag:s13] =	ssyncadd.s32 $0xFFFF8000  }
0x38: {  	[tilespmem:s8], [sflag:$0x1] =	stream.indirect.gather [spmem:s1], $0x80, s24, s7, $0xb8;
	[tilespmem:$0x1A800] =	vst v63  }
0x39: {  	_ =	swait.ge [sflag:s15], $0x8000  }
0x3a: {  	[sflag:s15] =	ssyncset.done $0x0  }
0x3b: {  	s25 =	sadd.s32 $0x204E00, s30;
	[sflag:s15] =	ssyncadd.s32 $0xFFFF8000  }
0x3c: {  	[hbm4b:s25+s2] =	stream.linear.scatter [tilespmem:s9], [sflag:$0x5], $0x8000, $0x38;
	[tilespmem:$0x1A800] =	vst v63  }
0x3d: {  	_ =	swait.ge [sflag:s16], $0x8000  }
0x3e: {  	[sflag:s16] =	ssyncset.done $0x0  }
0x3f: {  	s26 =	simm.s32 $0x700;
	[sflag:s16] =	ssyncadd.s32 $0xFFFF8000  }
0x40: {  	[tilespmem:s9], [sflag:$0x2] =	stream.indirect.gather [spmem:s1], $0x80, s26, s7, $0xb8;
	[tilespmem:$0x1A800] =	vst v63  }
0x41: {  	_ =	swait.ge [sflag:s19], $0x8000  }
0x42: {  	[sflag:s19] =	ssyncset.done $0x0  }
0x43: {  	s28 =	sadd.s32 $0x205E00, s30;
	[sflag:s19] =	ssyncadd.s32 $0xFFFF8000  }
0x44: {  	[hbm4b:s28+s2] =	stream.linear.scatter [tilespmem:s11], [sflag:$0x6], $0x8000, $0x38;
	[tilespmem:$0x1A800] =	vst v63  }
0x45: {  	_ =	swait.ge [sflag:s12], $0x8000  }
0x46: {  	[sflag:s12] =	ssyncset.done $0x0  }
0x47: {  	s31 =	ssub.s32 $0x2, s31;
	s29 =	sadd.s32 $0x206E00, s30;
	[sflag:s12] =	ssyncadd.s32 $0xFFFF8000  }
0x48: {  	[hbm4b:s29+s2] =	stream.linear.scatter [tilespmem:s8], [sflag:$0x4], $0x8000, $0x38;
	[tilespmem:$0x1A800] =	vst v63  }
0x49: {  	s0 =	sshrl.u32 s31, $0x1;
	_ =	swait.ge [sflag:s15], $0x8000  }
0x4a: {  	s0 =	ssub.s32 s31, s0;
	[sflag:s15] =	ssyncset.done $0x0  }
0x4b: {  	s0 =	smax.u32 s0, $0x1;
	s30 =	sadd.s32 $0x207E00, s30;
	[sflag:s15] =	ssyncadd.s32 $0xFFFF8000  }
0x4c: {  	[hbm4b:s30+s2] =	stream.linear.scatter [tilespmem:s9], [sflag:$0x5], $0x8000, $0x38;
	[tilespmem:$0x1A800] =	vst v63  }
0x4d: {  	s31 =	sadd.s32 $0xFFFFFFFF, s0;
	_ =	swait.ge [sflag:s21], $0x8000  }
0x4e: {  	p1 =	sne.s32 s31, $0x0;
	[sflag:s21] =	ssyncset.done $0x0  }
.Ltmp0:
0x4f: {  	[sflag:s21] =	ssyncadd.s32 $0xFFFF8000;
	(pc) =	sbr.rel @!p1 .LBB2_2-.Ltmp0, $4  }
0x50: {  	_ =	swait.ge [sflag:s13], $0x8000  }
0x51: {  	[sflag:s13] =	ssyncset.done $0x0  }
0x52: {  	[sflag:s13] =	ssyncadd.s32 $0xFFFF8000  }
0x53: {  	_ =	swait.ge [sflag:s16], $0x8000  }
.LBB2_1:
0x54: {  	[sflag:s16] =	ssyncset.done $0x0  }
0x55: {  	s0 =	rddreg [dreg:$0x4];
	[sflag:s16] =	ssyncadd.s32 $0xFFFF8000  }
0x56: {  	[spmem:s3], [sflag:s4] =	dma.local @!p0 [hbm:s0], $0x4000  }
0x57: {  	_ =	swait.ge @!p0 [sflag:s5], $0x4000  }
0x58: {  	[sflag:s5] =	ssyncset.done @!p0 $0x0  }
0x59: {  	s0 =	rddreg [dreg:$0x5];
	[sflag:s5] =	ssyncadd.s32 @!p0 $0xFFFFC000  }
0x5a: {  	[tilespmem:s2], [sflag:$0x7] =	stream.linear.gather [hbm4b:s0+s2], $0x800, $0x38;
	[tilespmem:$0x1A800] =	vst v63  }
0x5b: {  	_ =	swait.ge [sflag:s6], $0x800  }
0x5c: {  	[sflag:s6] =	ssyncset.done $0x0  }
0x5d: {  	[sflag:s6] =	ssyncadd.s32 $0xFFFFF800  }
0x5e: {  	[bflag:$0x0] =	sbarrier.arrive $0xFFFF  }
0x5f: {  	[tilespmem:s8], [sflag:$0x1] =	stream.indirect.gather [spmem:s1], $0x80, s2, s7, $0xb8;
	[tilespmem:$0x1A800] =	vst v63  }
0x60: {  	_ = 	snop  }
0x61: {  	[tilespmem:s9], [sflag:$0x2] =	stream.indirect.gather [spmem:s1], $0x80, s7, s7, $0xb8;
	[tilespmem:$0x1A800] =	vst v63  }
0x62: {  	_ = 	snop  }
0x63: {  	[tilespmem:s11], [sflag:$0x3] =	stream.indirect.gather [spmem:s1], $0x80, s10, s7, $0xb8;
	[tilespmem:$0x1A800] =	vst v63  }
0x64: {  	_ =	swait.ge [sflag:s12], $0x8000  }
0x65: {  	[sflag:s12] =	ssyncset.done $0x0  }
0x66: {  	s0 =	rddreg [dreg:$0x6];
	[sflag:s12] =	ssyncadd.s32 $0xFFFF8000  }
0x67: {  	[hbm4b:s0+s2] =	stream.linear.scatter [tilespmem:s8], [sflag:$0x4], $0x8000, $0x38;
	[tilespmem:$0x1A800] =	vst v63  }
0x68: {  	_ =	swait.ge [sflag:s13], $0x8000  }
0x69: {  	[sflag:s13] =	ssyncset.done $0x0  }
0x6a: {  	[sflag:s13] =	ssyncadd.s32 $0xFFFF8000  }
0x6b: {  	[tilespmem:s8], [sflag:$0x1] =	stream.indirect.gather [spmem:s1], $0x80, s14, s7, $0xb8;
	[tilespmem:$0x1A800] =	vst v63  }
0x6c: {  	_ =	swait.ge [sflag:s15], $0x8000  }
0x6d: {  	[sflag:s15] =	ssyncset.done $0x0  }
0x6e: {  	[sflag:s15] =	ssyncadd.s32 $0xFFFF8000  }
0x6f: {  	[hbm4b:s17+s2] =	stream.linear.scatter [tilespmem:s9], [sflag:$0x5], $0x8000, $0x38;
	[tilespmem:$0x1A800] =	vst v63  }
0x70: {  	_ =	swait.ge [sflag:s16], $0x8000  }
0x71: {  	[sflag:s16] =	ssyncset.done $0x0  }
0x72: {  	[sflag:s16] =	ssyncadd.s32 $0xFFFF8000  }
0x73: {  	[tilespmem:s9], [sflag:$0x2] =	stream.indirect.gather [spmem:s1], $0x80, s18, s7, $0xb8;
	[tilespmem:$0x1A800] =	vst v63  }
0x74: {  	_ =	swait.ge [sflag:s19], $0x8000  }
0x75: {  	[sflag:s19] =	ssyncset.done $0x0  }
0x76: {  	[sflag:s19] =	ssyncadd.s32 $0xFFFF8000  }
0x77: {  	[hbm4b:s20+s2] =	stream.linear.scatter [tilespmem:s11], [sflag:$0x6], $0x8000, $0x38;
	[tilespmem:$0x1A800] =	vst v63  }
0x78: {  	_ =	swait.ge [sflag:s21], $0x8000  }
0x79: {  	[sflag:s21] =	ssyncset.done $0x0  }
0x7a: {  	[sflag:s21] =	ssyncadd.s32 $0xFFFF8000  }
0x7b: {  	[tilespmem:s11], [sflag:$0x3] =	stream.indirect.gather [spmem:s1], $0x80, s22, s7, $0xb8;
	[tilespmem:$0x1A800] =	vst v63  }
0x7c: {  	_ =	swait.ge [sflag:s12], $0x8000  }
0x7d: {  	[sflag:s12] =	ssyncset.done $0x0  }
0x7e: {  	[sflag:s12] =	ssyncadd.s32 $0xFFFF8000  }
0x7f: {  	[hbm4b:s23+s2] =	stream.linear.scatter [tilespmem:s8], [sflag:$0x4], $0x8000, $0x38;
	[tilespmem:$0x1A800] =	vst v63  }
0x80: {  	_ =	swait.ge [sflag:s13], $0x8000  }
0x81: {  	[sflag:s13] =	ssyncset.done $0x0  }
0x82: {  	[sflag:s13] =	ssyncadd.s32 $0xFFFF8000  }
0x83: {  	[tilespmem:s8], [sflag:$0x1] =	stream.indirect.gather [spmem:s1], $0x80, s24, s7, $0xb8;
	[tilespmem:$0x1A800] =	vst v63  }
0x84: {  	_ =	swait.ge [sflag:s15], $0x8000  }
0x85: {  	[sflag:s15] =	ssyncset.done $0x0  }
0x86: {  	[sflag:s15] =	ssyncadd.s32 $0xFFFF8000  }
0x87: {  	[hbm4b:s25+s2] =	stream.linear.scatter [tilespmem:s9], [sflag:$0x5], $0x8000, $0x38;
	[tilespmem:$0x1A800] =	vst v63  }
0x88: {  	_ =	swait.ge [sflag:s16], $0x8000  }
0x89: {  	[sflag:s16] =	ssyncset.done $0x0  }
0x8a: {  	[sflag:s16] =	ssyncadd.s32 $0xFFFF8000  }
0x8b: {  	[tilespmem:s9], [sflag:$0x2] =	stream.indirect.gather [spmem:s1], $0x80, s26, s7, $0xb8;
	[tilespmem:$0x1A800] =	vst v63  }
0x8c: {  	_ =	swait.ge [sflag:s19], $0x8000  }
0x8d: {  	[sflag:s19] =	ssyncset.done $0x0  }
0x8e: {  	[sflag:s19] =	ssyncadd.s32 $0xFFFF8000  }
0x8f: {  	[hbm4b:s28+s2] =	stream.linear.scatter [tilespmem:s11], [sflag:$0x6], $0x8000, $0x38;
	[tilespmem:$0x1A800] =	vst v63  }
0x90: {  	_ =	swait.ge [sflag:s12], $0x8000  }
0x91: {  	[sflag:s12] =	ssyncset.done $0x0  }
0x92: {  	[sflag:s12] =	ssyncadd.s32 $0xFFFF8000  }
0x93: {  	[hbm4b:s29+s2] =	stream.linear.scatter [tilespmem:s8], [sflag:$0x4], $0x8000, $0x38;
	[tilespmem:$0x1A800] =	vst v63  }
0x94: {  	_ =	swait.ge [sflag:s15], $0x8000  }
0x95: {  	[sflag:s15] =	ssyncset.done $0x0  }
0x96: {  	[sflag:s15] =	ssyncadd.s32 $0xFFFF8000  }
0x97: {  	[hbm4b:s30+s2] =	stream.linear.scatter [tilespmem:s9], [sflag:$0x5], $0x8000, $0x38;
	[tilespmem:$0x1A800] =	vst v63  }
0x98: {  	s31 =	sadd.s32 $0xFFFFFFFF, s31;
	_ =	swait.ge [sflag:s21], $0x8000  }
0x99: {  	p1 =	sne.s32 s31, $0x0;
	[sflag:s21] =	ssyncset.done $0x0  }
.Ltmp1:
0x9a: {  	[sflag:s21] =	ssyncadd.s32 $0xFFFF8000;
	(pc) =	sbr.rel @p1 .LBB2_1-.Ltmp1, $4  }
0x9b: {  	_ =	swait.ge [sflag:s13], $0x8000  }
0x9c: {  	[sflag:s13] =	ssyncset.done $0x0  }
0x9d: {  	[sflag:s13] =	ssyncadd.s32 $0xFFFF8000  }
0x9e: {  	_ =	swait.ge [sflag:s16], $0x8000  }
.LBB2_2:
0x9f: {  	[sflag:s16] =	ssyncset.done $0x0  }
0xa0: {  	[sflag:s16] =	ssyncadd.s32 $0xFFFF8000  }
0xa1: {  	_ =	sfence.sel $0x180000  }
0xa2: {  	[bflag:$0x0] =	sbarrier.arrive $0xFFFF  }
0xa3: {  	_ =	strace $0x90000047  }
0xa4: {  	[bflag:$0x2] =	sbarrier.arrive $0xFFFF  }
0xa5: {  	s0 =	rddreg [dreg:$0x3]  }
0xa6: {  	s0 =	sadd.s32 @!p0 $0x100000, s0  }
0xa7: {  	[sflag:s0] =	ssyncadd.tile.s32 @!p0 $0x1;
	_ =	shalt  }
.Lfunc_end2:
_tile_overlayer_lowered:
.L_overlay_start_2:
0xa8: {  	(tag) =	ssettag $0x2  }
0xa9: {  	s0 =	rddreg [dreg:$0x0];
	s2 =	stileid.u32  }
0xaa: {  	s1 =	rddreg [dreg:$0x1];
	p0 =	sne.s32 s2, $0x0  }
0xab: {  	s3 =	rddreg [dreg:$0x2];
	[bflag:$0x3] =	sbarrier.arrive $0xFFFF;
	s2 =	simm.s32 @!p0 $0x1C07  }
0xac: {  	[timem:s3], [sflag:s2] =	dma.local @!p0 [hbm:s0], s1  }
0xad: {  	s0 =	simm.s32 @!p0 $0x7  }
0xae: {  	_ =	swait.ge @!p0 [sflag:s0], s1  }
0xaf: {  	s1 =	ssub.s32 @!p0 $0x0, s1;
	[sflag:s0] =	ssyncset.done @!p0 $0x0  }
0xb0: {  	[sflag:s0] =	ssyncadd.s32 @!p0 s1  }
0xb1: {  	[bflag:$0x3] =	sbarrier.arrive $0xFFFF  }
0xb2: {  	_ =	shalt  }

</sc_bundles>
